<compile_context>
chip_gen: v7x
topology: tpu7x:2x2x1
jax: 0.10.2.dev20260603
libtpu: 0.0.44.dev20260713+nightly
codegen_flags: <defaults>
</compile_context>

<pallas_src>
import functools

import jax
import jax.numpy as jnp
from jax import lax
from jax.experimental import pallas as pl
from jax.experimental.pallas import tpu as pltpu
from jax.experimental.pallas import tpu_sc as plsc

N = 10000
E = 320000
D = 128

NC = 2
NS = 16
NW = NC * NS
L = 16

N_PAD = 10240
CHUNK = 128
EPT = 10240
E_PAD = EPT * NW
NBUF = 2
IDXB = 8
TOTB = E_PAD // CHUNK
BPP = 2 * EPT // CHUNK
AGG_NC = 2
B0 = 152
B1 = BPP - B0

_mesh = plsc.VectorSubcoreMesh(
    core_axis_name="c", subcore_axis_name="s", num_cores=NC, num_subcores=NS)


@functools.partial(
    pl.kernel,
    out_type=jax.ShapeDtypeStruct((NW, N_PAD), jnp.float32),
    mesh=_mesh,
    scratch_types=[
        pltpu.VMEM((EPT,), jnp.int32),
        pltpu.VMEM((N_PAD,), jnp.float32),
    ],
    compiler_params=pltpu.CompilerParams(needs_layout_passes=False),
)
def _deg_sc(dst_hbm, zeros_hbm, out_hbm, dst_v, tab_v):
    c = lax.axis_index("c")
    s = lax.axis_index("s")
    wid = c * NS + s

    pltpu.sync_copy(zeros_hbm, tab_v)
    pltpu.sync_copy(dst_hbm.at[pl.ds(wid * EPT, EPT)], dst_v)

    ones = jnp.full((L,), 1.0, jnp.float32)

    def body(i, _):
        d = dst_v[pl.ds(i * L, L)]
        plsc.addupdate_scatter(tab_v, [d], ones)
        return _

    lax.fori_loop(0, EPT // L, body, None)

    pltpu.sync_copy(tab_v, out_hbm.at[wid])


_agg_mesh = plsc.VectorSubcoreMesh(
    core_axis_name="c", subcore_axis_name="s", num_cores=AGG_NC,
    num_subcores=NS)


@functools.partial(
    pl.kernel,
    out_type=jax.ShapeDtypeStruct((AGG_NC, N_PAD, D), jnp.float32),
    mesh=_agg_mesh,
    scratch_types=[
        pltpu.VMEM((IDXB, CHUNK), jnp.int32),
        pltpu.VMEM((IDXB, CHUNK), jnp.int32),
        pltpu.VMEM((CHUNK, D), jnp.float32),
        pltpu.VMEM((CHUNK, D), jnp.float32),
        pltpu.VMEM_SHARED((N_PAD, D), jnp.float32),
        pltpu.SemaphoreType.DMA,
    ],
    compiler_params=pltpu.CompilerParams(needs_layout_passes=False),
)
def _agg_sc(y_hbm, src_hbm, dst_hbm, out_hbm, src_v, dst_v,
            rb0, rb1, tab_sh, sem):
    ring = (rb0, rb1)
    c = lax.axis_index("c")
    s = lax.axis_index("s")
    rows = N_PAD // NS
    stages = jnp.where(c == 0, B0 // IDXB, B1 // IDXB)
    tile_base = jnp.where(c == 0, s * B0, NS * B0 + s * B1)

    def _guarded(fn):
        if B1 > 0:
            fn()
        else:
            pl.when(c == 0)(fn)

    zero16 = jnp.zeros((L,), jnp.float32)

    def zbody(i, _):
        r = i // (D // L)
        k = i - r * (D // L)
        rb0[r, pl.ds(k * L, L)] = zero16
        return _

    def _zero_tab():
        lax.fori_loop(0, CHUNK * (D // L), zbody, None)
        for t in range(rows // CHUNK):
            pltpu.sync_copy(rb0, tab_sh.at[pl.ds(s * rows + t * CHUNK, CHUNK)])

    _guarded(_zero_tab)
    plsc.subcore_barrier()

    def stage(h, _):
        off = tile_base + h * IDXB
        pltpu.sync_copy(src_hbm.at[pl.ds(off, IDXB)], src_v)
        pltpu.sync_copy(dst_hbm.at[pl.ds(off, IDXB)], dst_v)
        for b in range(NBUF):
            pltpu.async_copy(y_hbm.at[src_v.at[b]], ring[b], sem)

        def outer(j, _):
            for b in range(NBUF):
                g = j * NBUF + b
                pltpu.make_async_copy(y_hbm.at[src_v.at[g]], ring[b],
                                      sem).wait()
                pltpu.sync_copy(ring[b], tab_sh.at[dst_v.at[g]], add=True)

                @pl.when(g + NBUF < IDXB)
                def _():
                    pltpu.async_copy(y_hbm.at[src_v.at[g + NBUF]], ring[b],
                                     sem)
            return _

        lax.fori_loop(0, IDXB // NBUF, outer, None)
        return _

    lax.fori_loop(0, stages, stage, None)

    plsc.subcore_barrier()
    _guarded(lambda: pltpu.sync_copy(
        tab_sh.at[pl.ds(s * rows, rows)],
        out_hbm.at[c].at[pl.ds(s * rows, rows)]))


_RB = 1024


def _tca_body(prev_ref, raw_ref, w_ref, u_ref):
    u_ref[...] = jnp.dot(prev_ref[...], w_ref[...],
                         preferred_element_type=jnp.float32) + raw_ref[...]


def _tc_a(prev_p, raw_p, W):
    return pl.pallas_call(
        _tca_body,
        grid=(N_PAD // _RB,),
        in_specs=[
            pl.BlockSpec((_RB, D), lambda i: (i, 0)),
            pl.BlockSpec((_RB, D), lambda i: (i, 0)),
            pl.BlockSpec((D, D), lambda i: (0, 0)),
        ],
        out_specs=pl.BlockSpec((_RB, D), lambda i: (i, 0)),
        out_shape=jax.ShapeDtypeStruct((N_PAD, D), jnp.float32),
    )(prev_p, raw_p, W)


def _norm_from(deg_ref):
    d = jnp.sum(deg_ref[...], axis=1, keepdims=True)
    return lax.rsqrt(jnp.maximum(d, 1.0))


def _tcb_body(u_ref, deg_ref, y_ref):
    y_ref[...] = u_ref[...] * _norm_from(deg_ref)


def _tc_b(U, deg_t):
    return pl.pallas_call(
        _tcb_body,
        grid=(N_PAD // _RB,),
        in_specs=[
            pl.BlockSpec((_RB, D), lambda i: (i, 0)),
            pl.BlockSpec((_RB, NW), lambda i: (i, 0)),
        ],
        out_specs=pl.BlockSpec((_RB, D), lambda i: (i, 0)),
        out_shape=jax.ShapeDtypeStruct((N_PAD, D), jnp.float32),
    )(U, deg_t)


_NPC = NC if B1 > 0 else 1


def _tcc_body(part_ref, deg_ref, out_ref):
    acc = part_ref[0]
    for i in range(1, _NPC):
        acc = acc + part_ref[i]
    out_ref[...] = jnp.maximum(acc * _norm_from(deg_ref), 0.0)


_RC = 1000


def _tc_c(part, deg_t):
    return pl.pallas_call(
        _tcc_body,
        grid=(N // _RC,),
        in_specs=[
            pl.BlockSpec((_NPC, _RC, D), lambda i: (0, i, 0)),
            pl.BlockSpec((_RC, NW), lambda i: (i, 0)),
        ],
        out_specs=pl.BlockSpec((_RC, D), lambda i: (i, 0)),
        out_shape=jax.ShapeDtypeStruct((N, D), jnp.float32),
    )(part, deg_t)


def kernel(prev, raw, edge_index, W):
    src = edge_index[0]
    dst = edge_index[1]
    src_p = jnp.pad(src, (0, E_PAD - E))
    pad_dst = N + (jnp.arange(E_PAD - E, dtype=jnp.int32) % (N_PAD - N))
    dst_p = jnp.concatenate([dst, pad_dst])
    prev_p = jnp.pad(prev, ((0, N_PAD - N), (0, 0)))
    raw_p = jnp.pad(raw, ((0, N_PAD - N), (0, 0)))

    zeros1 = jnp.zeros((N_PAD,), jnp.float32)

    deg2 = _deg_sc(dst_p, zeros1)
    U = _tc_a(prev_p, raw_p, W)
    deg_t = deg2.T
    Y = _tc_b(U, deg_t)
    src3 = src_p.reshape(TOTB, CHUNK)
    dst3 = dst_p.reshape(TOTB, CHUNK)
    part = _agg_sc(Y, src3, dst3)
    return _tc_c(part, deg_t)

# --- scband reference (transcript-rebuilt; emitter-appended) ---
"""Pipeline reference for scband-gres-conv-20607253086493 (READ-ONLY COPY).

The authoritative reference and input builder live on the scoring server;
editing this copy changes nothing except your own understanding.
"""

import jax, jax.numpy as jnp
import numpy as np

N = 10000
E = 320000
D = 128

def setup_inputs(seed: int = 0) -> dict:
    key = jax.random.key(seed)
    k1, k2, k3, k4 = jax.random.split(key, 4)
    prev = jax.random.normal(k1, (N, D), dtype=jnp.float32)
    raw = jax.random.normal(k2, (N, D), dtype=jnp.float32)
    edge_index = jax.random.randint(k3, (2, E), 0, N, dtype=jnp.int32)
    # learned parameter for base_conv (DGL GraphConv weight, in_dim x out_dim)
    W = jax.random.normal(k4, (D, D), dtype=jnp.float32) * 0.05
    return {"prev": prev, "raw": raw, "edge_index": edge_index, "W": W}

def reference(prev, raw, edge_index, W):
    src = edge_index[0]
    dst = edge_index[1]
    # in-degree based symmetric norm: deg^-0.5 clamped at 1
    deg = jnp.zeros((N,), jnp.float32).at[dst].add(1.0)
    norm = jnp.power(jnp.clip(deg, 1.0, None), -0.5)[:, None]
    # residual branch: raw_res=True -> res = raw; graph_res=True -> normalized copy_src+sum aggregation
    res = raw * norm
    agg = jnp.zeros((N, D), jnp.float32).at[dst].add(jnp.take(res, src, axis=0))
    res = agg * norm
    # base_conv: standard GraphConv with symmetric normalization on prev
    h = prev * norm
    h_agg = jnp.zeros((N, D), jnp.float32).at[dst].add(jnp.take(h, src, axis=0))
    conv_out = (h_agg * norm) @ W
    nxt = conv_out + res
    return jax.nn.relu(nxt)

if __name__ == "__main__":
    import jax
    _d = setup_inputs()
    print(jax.jit(kernel)(*tuple(_d.values())))

</pallas_src>

<mosaic_0001>
#map = affine_map<(d0, d1) -> (0, 0)>
#map1 = affine_map<(d0, d1) -> (0, 0, 0)>
module attributes {stable_mosaic.version = 14 : i64} {
  func.func @_agg_sc(%arg0: i32, %arg1: i32, %arg2: memref<10240x128xf32, #tpu.memory_space<hbm>>, %arg3: memref<2560x128xi32, #tpu.memory_space<hbm>>, %arg4: memref<2560x128xi32, #tpu.memory_space<hbm>>, %arg5: memref<2x10240x128xf32, #tpu.memory_space<hbm>>, %arg6: memref<8x128xi32, #tpu.memory_space<vmem>>, %arg7: memref<8x128xi32, #tpu.memory_space<vmem>>, %arg8: memref<128x128xf32, #tpu.memory_space<vmem>>, %arg9: memref<128x128xf32, #tpu.memory_space<vmem>>, %arg10: memref<10240x128xf32, #tpu.memory_space<vmem_shared>>, %arg11: memref<!tpu.dma_semaphore, #tpu.memory_space<semaphore_mem>>) attributes {dimension_semantics = [#tpu.dimension_semantics<core_parallel>, #tpu.dimension_semantics<subcore_parallel>], iteration_bounds = array<i64: 2, 16>, scalar_prefetch = 0 : i64, scratch_operands = 6 : i64, tpu.core_type = #tpu.core_type<sc_vector_subcore>, window_params = [{transform_indices = #map}, {transform_indices = #map}, {transform_indices = #map}, {transform_indices = #map1}]} {
    %eq3A = arith.constant 0 : i32
    %eq3A_0 = arith.cmpi eq, %arg0, %eq3A : i32
    %jit3A = arith.constant 19 : i32
    %jit3A_1 = arith.constant 1 : i32
    %select_n3A = arith.select %eq3A_0, %jit3A, %jit3A_1 : i32
    %eq3A_2 = arith.constant 0 : i32
    %eq3A_3 = arith.cmpi eq, %arg0, %eq3A_2 : i32
    %mul3A = arith.constant 152 : i32
    %mul3A_4 = arith.muli %arg1, %mul3A : i32
    %mul3A_5 = arith.constant 8 : i32
    %mul3A_6 = arith.muli %arg1, %mul3A_5 : i32
    %add3A = arith.constant 2432 : i32
    %add3A_7 = arith.addi %add3A, %mul3A_6 : i32
    %select_n3A_8 = arith.select %eq3A_3, %mul3A_4, %add3A_7 : i32
    %broadcast_in_dim3A = arith.constant 0.000000e+00 : f32
    %broadcast_in_dim3A_9 = vector.broadcast %broadcast_in_dim3A : f32 to vector<16xf32>
    %scan3A = arith.constant 0 : i32
    %scan3A_10 = arith.constant 1024 : i32
    %scan3A_11 = arith.addi %scan3A, %scan3A_10 : i32
    %scan3A_12 = arith.constant 1 : i32
    scf.for %scan3A_47 = %scan3A to %scan3A_11 step %scan3A_12  : i32 {
      %jit3A_48 = arith.constant 8 : i32
      %div3A = arith.divsi %scan3A_47, %jit3A_48 : i32
      %sign3A = arith.constant 0 : i32
      %sign3A_49 = arith.cmpi sgt, %scan3A_47, %sign3A : i32
      %sign3A_50 = arith.extui %sign3A_49 : i1 to i32
      %sign3A_51 = arith.constant 0 : i32
      %sign3A_52 = arith.cmpi slt, %scan3A_47, %sign3A_51 : i32
      %sign3A_53 = arith.extui %sign3A_52 : i1 to i32
      %sign3A_54 = arith.subi %sign3A_50, %sign3A_53 : i32
      %sign3A_55 = arith.constant 0 : i32
      %sign3A_56 = arith.cmpi sgt, %jit3A_48, %sign3A_55 : i32
      %sign3A_57 = arith.extui %sign3A_56 : i1 to i32
      %sign3A_58 = arith.constant 0 : i32
      %sign3A_59 = arith.cmpi slt, %jit3A_48, %sign3A_58 : i32
      %sign3A_60 = arith.extui %sign3A_59 : i1 to i32
      %sign3A_61 = arith.subi %sign3A_57, %sign3A_60 : i32
      %ne3A = arith.cmpi ne, %sign3A_54, %sign3A_61 : i32
      %rem3A = arith.remsi %scan3A_47, %jit3A_48 : i32
      %ne3A_62 = arith.constant 0 : i32
      %ne3A_63 = arith.cmpi ne, %rem3A, %ne3A_62 : i32
      %and3A = arith.andi %ne3A, %ne3A_63 : i1
      %sub3A = arith.constant 1 : i32
      %sub3A_64 = arith.subi %div3A, %sub3A : i32
      %select_n3A_65 = arith.select %and3A, %sub3A_64, %div3A : i32
      %mul3A_66 = arith.constant 8 : i32
      %mul3A_67 = arith.muli %select_n3A_65, %mul3A_66 : i32
      %sub3A_68 = arith.subi %scan3A_47, %mul3A_67 : i32
      %mul3A_69 = arith.constant 16 : i32
      %mul3A_70 = arith.muli %sub3A_68, %mul3A_69 : i32
      %swap3A = arith.index_cast %select_n3A_65 : i32 to index
      %swap3A_71 = arith.index_cast %mul3A_70 : i32 to index
      %swap3A_72 = tpu.vector_load %arg8[%swap3A, %swap3A_71] {strides = array<i32>} : memref<128x128xf32, #tpu.memory_space<vmem>>, vector<16xf32>,
      tpu.vector_store %arg8[%swap3A, %swap3A_71], %broadcast_in_dim3A_9 {strides = array<i32>} : memref<128x128xf32, #tpu.memory_space<vmem>>, vector<16xf32>,
    }
    %scan3A_13 = arith.constant 1024 : i32
    %mul3A_14 = arith.constant 640 : i32
    %mul3A_15 = arith.muli %arg1, %mul3A_14 : i32
    %add3A_16 = arith.constant 0 : i32
    %add3A_17 = arith.addi %mul3A_15, %add3A_16 : i32
    "tpu.region"() ({
      %run_scoped3A = tpu.sem_alloc : memref<!tpu.dma_semaphore, #tpu.memory_space<semaphore_mem>>
      %dma_start3A = arith.constant 0 : i32
      %dma_start3A_47 = tpu.memref_slice %arg10[%add3A_17, %dma_start3A] : memref<10240x128xf32, #tpu.memory_space<vmem_shared>> -> memref<128x128xf32, #tpu.memory_space<vmem_shared>>
      %dma_start3A_48 = arith.constant 0 : i32
      %dma_start3A_49 = tpu.memref_slice %arg10[%add3A_17, %dma_start3A_48] : memref<10240x128xf32, #tpu.memory_space<vmem_shared>> -> memref<128x128xf32, #tpu.memory_space<vmem_shared>>
      tpu.enqueue_dma source(%arg8 : memref<128x128xf32, #tpu.memory_space<vmem>>) target(%dma_start3A_49 : memref<128x128xf32, #tpu.memory_space<vmem_shared>>) target_semaphore(%run_scoped3A : memref<!tpu.dma_semaphore, #tpu.memory_space<semaphore_mem>>)
      %dma_wait3A = arith.constant 0 : i32
      %dma_wait3A_50 = tpu.memref_slice %arg10[%add3A_17, %dma_wait3A] : memref<10240x128xf32, #tpu.memory_space<vmem_shared>> -> memref<128x128xf32, #tpu.memory_space<vmem_shared>>
      %dma_wait3A_51 = arith.constant 0 : i32
      %dma_wait3A_52 = tpu.memref_slice %arg10[%add3A_17, %dma_wait3A_51] : memref<10240x128xf32, #tpu.memory_space<vmem_shared>> -> memref<128x128xf32, #tpu.memory_space<vmem_shared>>
      tpu.wait_dma2 semaphore(%run_scoped3A : memref<!tpu.dma_semaphore, #tpu.memory_space<semaphore_mem>>) src(%arg8 : memref<128x128xf32, #tpu.memory_space<vmem>>) dst(%dma_wait3A_52 : memref<128x128xf32, #tpu.memory_space<vmem_shared>>)
      tpu.yield
    }) : () -> ()
    %mul3A_18 = arith.constant 640 : i32
    %mul3A_19 = arith.muli %arg1, %mul3A_18 : i32
    %add3A_20 = arith.constant 128 : i32
    %add3A_21 = arith.addi %mul3A_19, %add3A_20 : i32
    "tpu.region"() ({
      %run_scoped3A = tpu.sem_alloc : memref<!tpu.dma_semaphore, #tpu.memory_space<semaphore_mem>>
      %dma_start3A = arith.constant 0 : i32
      %dma_start3A_47 = tpu.memref_slice %arg10[%add3A_21, %dma_start3A] : memref<10240x128xf32, #tpu.memory_space<vmem_shared>> -> memref<128x128xf32, #tpu.memory_space<vmem_shared>>
      %dma_start3A_48 = arith.constant 0 : i32
      %dma_start3A_49 = tpu.memref_slice %arg10[%add3A_21, %dma_start3A_48] : memref<10240x128xf32, #tpu.memory_space<vmem_shared>> -> memref<128x128xf32, #tpu.memory_space<vmem_shared>>
      tpu.enqueue_dma source(%arg8 : memref<128x128xf32, #tpu.memory_space<vmem>>) target(%dma_start3A_49 : memref<128x128xf32, #tpu.memory_space<vmem_shared>>) target_semaphore(%run_scoped3A : memref<!tpu.dma_semaphore, #tpu.memory_space<semaphore_mem>>)
      %dma_wait3A = arith.constant 0 : i32
      %dma_wait3A_50 = tpu.memref_slice %arg10[%add3A_21, %dma_wait3A] : memref<10240x128xf32, #tpu.memory_space<vmem_shared>> -> memref<128x128xf32, #tpu.memory_space<vmem_shared>>
      %dma_wait3A_51 = arith.constant 0 : i32
      %dma_wait3A_52 = tpu.memref_slice %arg10[%add3A_21, %dma_wait3A_51] : memref<10240x128xf32, #tpu.memory_space<vmem_shared>> -> memref<128x128xf32, #tpu.memory_space<vmem_shared>>
      tpu.wait_dma2 semaphore(%run_scoped3A : memref<!tpu.dma_semaphore, #tpu.memory_space<semaphore_mem>>) src(%arg8 : memref<128x128xf32, #tpu.memory_space<vmem>>) dst(%dma_wait3A_52 : memref<128x128xf32, #tpu.memory_space<vmem_shared>>)
      tpu.yield
    }) : () -> ()
    %mul3A_22 = arith.constant 640 : i32
    %mul3A_23 = arith.muli %arg1, %mul3A_22 : i32
    %add3A_24 = arith.constant 256 : i32
    %add3A_25 = arith.addi %mul3A_23, %add3A_24 : i32
    "tpu.region"() ({
      %run_scoped3A = tpu.sem_alloc : memref<!tpu.dma_semaphore, #tpu.memory_space<semaphore_mem>>
      %dma_start3A = arith.constant 0 : i32
      %dma_start3A_47 = tpu.memref_slice %arg10[%add3A_25, %dma_start3A] : memref<10240x128xf32, #tpu.memory_space<vmem_shared>> -> memref<128x128xf32, #tpu.memory_space<vmem_shared>>
      %dma_start3A_48 = arith.constant 0 : i32
      %dma_start3A_49 = tpu.memref_slice %arg10[%add3A_25, %dma_start3A_48] : memref<10240x128xf32, #tpu.memory_space<vmem_shared>> -> memref<128x128xf32, #tpu.memory_space<vmem_shared>>
      tpu.enqueue_dma source(%arg8 : memref<128x128xf32, #tpu.memory_space<vmem>>) target(%dma_start3A_49 : memref<128x128xf32, #tpu.memory_space<vmem_shared>>) target_semaphore(%run_scoped3A : memref<!tpu.dma_semaphore, #tpu.memory_space<semaphore_mem>>)
      %dma_wait3A = arith.constant 0 : i32
      %dma_wait3A_50 = tpu.memref_slice %arg10[%add3A_25, %dma_wait3A] : memref<10240x128xf32, #tpu.memory_space<vmem_shared>> -> memref<128x128xf32, #tpu.memory_space<vmem_shared>>
      %dma_wait3A_51 = arith.constant 0 : i32
      %dma_wait3A_52 = tpu.memref_slice %arg10[%add3A_25, %dma_wait3A_51] : memref<10240x128xf32, #tpu.memory_space<vmem_shared>> -> memref<128x128xf32, #tpu.memory_space<vmem_shared>>
      tpu.wait_dma2 semaphore(%run_scoped3A : memref<!tpu.dma_semaphore, #tpu.memory_space<semaphore_mem>>) src(%arg8 : memref<128x128xf32, #tpu.memory_space<vmem>>) dst(%dma_wait3A_52 : memref<128x128xf32, #tpu.memory_space<vmem_shared>>)
      tpu.yield
    }) : () -> ()
    %mul3A_26 = arith.constant 640 : i32
    %mul3A_27 = arith.muli %arg1, %mul3A_26 : i32
    %add3A_28 = arith.constant 384 : i32
    %add3A_29 = arith.addi %mul3A_27, %add3A_28 : i32
    "tpu.region"() ({
      %run_scoped3A = tpu.sem_alloc : memref<!tpu.dma_semaphore, #tpu.memory_space<semaphore_mem>>
      %dma_start3A = arith.constant 0 : i32
      %dma_start3A_47 = tpu.memref_slice %arg10[%add3A_29, %dma_start3A] : memref<10240x128xf32, #tpu.memory_space<vmem_shared>> -> memref<128x128xf32, #tpu.memory_space<vmem_shared>>
      %dma_start3A_48 = arith.constant 0 : i32
      %dma_start3A_49 = tpu.memref_slice %arg10[%add3A_29, %dma_start3A_48] : memref<10240x128xf32, #tpu.memory_space<vmem_shared>> -> memref<128x128xf32, #tpu.memory_space<vmem_shared>>
      tpu.enqueue_dma source(%arg8 : memref<128x128xf32, #tpu.memory_space<vmem>>) target(%dma_start3A_49 : memref<128x128xf32, #tpu.memory_space<vmem_shared>>) target_semaphore(%run_scoped3A : memref<!tpu.dma_semaphore, #tpu.memory_space<semaphore_mem>>)
      %dma_wait3A = arith.constant 0 : i32
      %dma_wait3A_50 = tpu.memref_slice %arg10[%add3A_29, %dma_wait3A] : memref<10240x128xf32, #tpu.memory_space<vmem_shared>> -> memref<128x128xf32, #tpu.memory_space<vmem_shared>>
      %dma_wait3A_51 = arith.constant 0 : i32
      %dma_wait3A_52 = tpu.memref_slice %arg10[%add3A_29, %dma_wait3A_51] : memref<10240x128xf32, #tpu.memory_space<vmem_shared>> -> memref<128x128xf32, #tpu.memory_space<vmem_shared>>
      tpu.wait_dma2 semaphore(%run_scoped3A : memref<!tpu.dma_semaphore, #tpu.memory_space<semaphore_mem>>) src(%arg8 : memref<128x128xf32, #tpu.memory_space<vmem>>) dst(%dma_wait3A_52 : memref<128x128xf32, #tpu.memory_space<vmem_shared>>)
      tpu.yield
    }) : () -> ()
    %mul3A_30 = arith.constant 640 : i32
    %mul3A_31 = arith.muli %arg1, %mul3A_30 : i32
    %add3A_32 = arith.constant 512 : i32
    %add3A_33 = arith.addi %mul3A_31, %add3A_32 : i32
    "tpu.region"() ({
      %run_scoped3A = tpu.sem_alloc : memref<!tpu.dma_semaphore, #tpu.memory_space<semaphore_mem>>
      %dma_start3A = arith.constant 0 : i32
      %dma_start3A_47 = tpu.memref_slice %arg10[%add3A_33, %dma_start3A] : memref<10240x128xf32, #tpu.memory_space<vmem_shared>> -> memref<128x128xf32, #tpu.memory_space<vmem_shared>>
      %dma_start3A_48 = arith.constant 0 : i32
      %dma_start3A_49 = tpu.memref_slice %arg10[%add3A_33, %dma_start3A_48] : memref<10240x128xf32, #tpu.memory_space<vmem_shared>> -> memref<128x128xf32, #tpu.memory_space<vmem_shared>>
      tpu.enqueue_dma source(%arg8 : memref<128x128xf32, #tpu.memory_space<vmem>>) target(%dma_start3A_49 : memref<128x128xf32, #tpu.memory_space<vmem_shared>>) target_semaphore(%run_scoped3A : memref<!tpu.dma_semaphore, #tpu.memory_space<semaphore_mem>>)
      %dma_wait3A = arith.constant 0 : i32
      %dma_wait3A_50 = tpu.memref_slice %arg10[%add3A_33, %dma_wait3A] : memref<10240x128xf32, #tpu.memory_space<vmem_shared>> -> memref<128x128xf32, #tpu.memory_space<vmem_shared>>
      %dma_wait3A_51 = arith.constant 0 : i32
      %dma_wait3A_52 = tpu.memref_slice %arg10[%add3A_33, %dma_wait3A_51] : memref<10240x128xf32, #tpu.memory_space<vmem_shared>> -> memref<128x128xf32, #tpu.memory_space<vmem_shared>>
      tpu.wait_dma2 semaphore(%run_scoped3A : memref<!tpu.dma_semaphore, #tpu.memory_space<semaphore_mem>>) src(%arg8 : memref<128x128xf32, #tpu.memory_space<vmem>>) dst(%dma_wait3A_52 : memref<128x128xf32, #tpu.memory_space<vmem_shared>>)
      tpu.yield
    }) : () -> ()
    %barrier3A = arith.constant 0 : index
    tpu.barrier barrier_id(%barrier3A)
    %while3A = arith.constant 0 : i32
    %while3A_34 = arith.subi %select_n3A, %while3A : i32
    %while3A_35 = arith.addi %while3A, %while3A_34 : i32
    %while3A_36 = arith.constant 1 : i32
    %while3A_37 = arith.divsi %while3A_34, %while3A_36 : i32
    %while3A_38 = arith.muli %while3A_37, %while3A_36 : i32
    %while3A_39 = arith.addi %while3A, %while3A_38 : i32
    %while3A_40 = arith.constant 1 : i32
    scf.for %while3A_47 = %while3A to %while3A_39 step %while3A_40  : i32 {
      %mul3A_48 = arith.constant 8 : i32
      %mul3A_49 = arith.muli %while3A_47, %mul3A_48 : i32
      %add3A_50 = arith.addi %select_n3A_8, %mul3A_49 : i32
      "tpu.region"() ({
        %run_scoped3A = tpu.sem_alloc : memref<!tpu.dma_semaphore, #tpu.memory_space<semaphore_mem>>
        %dma_start3A_69 = arith.constant 0 : i32
        %dma_start3A_70 = tpu.memref_slice %arg3[%add3A_50, %dma_start3A_69] : memref<2560x128xi32, #tpu.memory_space<hbm>> -> memref<8x128xi32, #tpu.memory_space<hbm>>
        %dma_start3A_71 = arith.constant 0 : i32
        %dma_start3A_72 = tpu.memref_slice %arg3[%add3A_50, %dma_start3A_71] : memref<2560x128xi32, #tpu.memory_space<hbm>> -> memref<8x128xi32, #tpu.memory_space<hbm>>
        tpu.enqueue_dma source(%dma_start3A_72 : memref<8x128xi32, #tpu.memory_space<hbm>>) target(%arg6 : memref<8x128xi32, #tpu.memory_space<vmem>>) target_semaphore(%run_scoped3A : memref<!tpu.dma_semaphore, #tpu.memory_space<semaphore_mem>>)
        %dma_wait3A = arith.constant 0 : i32
        %dma_wait3A_73 = tpu.memref_slice %arg3[%add3A_50, %dma_wait3A] : memref<2560x128xi32, #tpu.memory_space<hbm>> -> memref<8x128xi32, #tpu.memory_space<hbm>>
        %dma_wait3A_74 = arith.constant 0 : i32
        %dma_wait3A_75 = tpu.memref_slice %arg3[%add3A_50, %dma_wait3A_74] : memref<2560x128xi32, #tpu.memory_space<hbm>> -> memref<8x128xi32, #tpu.memory_space<hbm>>
        tpu.wait_dma2 semaphore(%run_scoped3A : memref<!tpu.dma_semaphore, #tpu.memory_space<semaphore_mem>>) src(%dma_wait3A_75 : memref<8x128xi32, #tpu.memory_space<hbm>>) dst(%arg6 : memref<8x128xi32, #tpu.memory_space<vmem>>)
        tpu.yield
      }) : () -> ()
      "tpu.region"() ({
        %run_scoped3A = tpu.sem_alloc : memref<!tpu.dma_semaphore, #tpu.memory_space<semaphore_mem>>
        %dma_start3A_69 = arith.constant 0 : i32
        %dma_start3A_70 = tpu.memref_slice %arg4[%add3A_50, %dma_start3A_69] : memref<2560x128xi32, #tpu.memory_space<hbm>> -> memref<8x128xi32, #tpu.memory_space<hbm>>
        %dma_start3A_71 = arith.constant 0 : i32
        %dma_start3A_72 = tpu.memref_slice %arg4[%add3A_50, %dma_start3A_71] : memref<2560x128xi32, #tpu.memory_space<hbm>> -> memref<8x128xi32, #tpu.memory_space<hbm>>
        tpu.enqueue_dma source(%dma_start3A_72 : memref<8x128xi32, #tpu.memory_space<hbm>>) target(%arg7 : memref<8x128xi32, #tpu.memory_space<vmem>>) target_semaphore(%run_scoped3A : memref<!tpu.dma_semaphore, #tpu.memory_space<semaphore_mem>>)
        %dma_wait3A = arith.constant 0 : i32
        %dma_wait3A_73 = tpu.memref_slice %arg4[%add3A_50, %dma_wait3A] : memref<2560x128xi32, #tpu.memory_space<hbm>> -> memref<8x128xi32, #tpu.memory_space<hbm>>
        %dma_wait3A_74 = arith.constant 0 : i32
        %dma_wait3A_75 = tpu.memref_slice %arg4[%add3A_50, %dma_wait3A_74] : memref<2560x128xi32, #tpu.memory_space<hbm>> -> memref<8x128xi32, #tpu.memory_space<hbm>>
        tpu.wait_dma2 semaphore(%run_scoped3A : memref<!tpu.dma_semaphore, #tpu.memory_space<semaphore_mem>>) src(%dma_wait3A_75 : memref<8x128xi32, #tpu.memory_space<hbm>>) dst(%arg7 : memref<8x128xi32, #tpu.memory_space<vmem>>)
        tpu.yield
      }) : () -> ()
      %dma_start3A = arith.constant 0 : i32
      %dma_start3A_51 = arith.constant 0 : i32
      %dma_start3A_52 = tpu.memref_slice %arg6[%dma_start3A, %dma_start3A_51] : memref<8x128xi32, #tpu.memory_space<vmem>> -> memref<1x128xi32, #tpu.memory_space<vmem>>
      %dma_start3A_53 = tpu.memref_squeeze %dma_start3A_52 : memref<1x128xi32, #tpu.memory_space<vmem>> -> memref<128xi32, #tpu.memory_space<vmem>>
      %dma_start3A_54 = arith.constant 0 : i32
      %dma_start3A_55 = arith.constant 0 : i32
      %dma_start3A_56 = tpu.memref_slice %arg2[%dma_start3A_54, %dma_start3A_55] : memref<10240x128xf32, #tpu.memory_space<hbm>> -> memref<10240x128xf32, #tpu.memory_space<hbm>>
      tpu.enqueue_indirect_dma source(%dma_start3A_56 : memref<10240x128xf32, #tpu.memory_space<hbm>>) target(%arg8 : memref<128x128xf32, #tpu.memory_space<vmem>>) offsets(%dma_start3A_53 : memref<128xi32, #tpu.memory_space<vmem>>) semaphore(%arg11 : memref<!tpu.dma_semaphore, #tpu.memory_space<semaphore_mem>>)
      %dma_start3A_57 = arith.constant 1 : i32
      %dma_start3A_58 = arith.constant 0 : i32
      %dma_start3A_59 = tpu.memref_slice %arg6[%dma_start3A_57, %dma_start3A_58] : memref<8x128xi32, #tpu.memory_space<vmem>> -> memref<1x128xi32, #tpu.memory_space<vmem>>
      %dma_start3A_60 = tpu.memref_squeeze %dma_start3A_59 : memref<1x128xi32, #tpu.memory_space<vmem>> -> memref<128xi32, #tpu.memory_space<vmem>>
      %dma_start3A_61 = arith.constant 0 : i32
      %dma_start3A_62 = arith.constant 0 : i32
      %dma_start3A_63 = tpu.memref_slice %arg2[%dma_start3A_61, %dma_start3A_62] : memref<10240x128xf32, #tpu.memory_space<hbm>> -> memref<10240x128xf32, #tpu.memory_space<hbm>>
      tpu.enqueue_indirect_dma source(%dma_start3A_63 : memref<10240x128xf32, #tpu.memory_space<hbm>>) target(%arg9 : memref<128x128xf32, #tpu.memory_space<vmem>>) offsets(%dma_start3A_60 : memref<128xi32, #tpu.memory_space<vmem>>) semaphore(%arg11 : memref<!tpu.dma_semaphore, #tpu.memory_space<semaphore_mem>>)
      %scan3A_64 = arith.constant 0 : i32
      %scan3A_65 = arith.constant 4 : i32
      %scan3A_66 = arith.addi %scan3A_64, %scan3A_65 : i32
      %scan3A_67 = arith.constant 1 : i32
      scf.for %scan3A_69 = %scan3A_64 to %scan3A_66 step %scan3A_67  : i32 {
        %mul3A_70 = arith.constant 2 : i32
        %mul3A_71 = arith.muli %scan3A_69, %mul3A_70 : i32
        %add3A_72 = arith.constant 0 : i32
        %add3A_73 = arith.addi %mul3A_71, %add3A_72 : i32
        %dma_wait3A = arith.constant 0 : i32
        %dma_wait3A_74 = tpu.memref_slice %arg6[%add3A_73, %dma_wait3A] : memref<8x128xi32, #tpu.memory_space<vmem>> -> memref<1x128xi32, #tpu.memory_space<vmem>>
        %dma_wait3A_75 = tpu.memref_squeeze %dma_wait3A_74 : memref<1x128xi32, #tpu.memory_space<vmem>> -> memref<128xi32, #tpu.memory_space<vmem>>
        %dma_wait3A_76 = arith.constant 0 : i32
        %dma_wait3A_77 = arith.constant 0 : i32
        %dma_wait3A_78 = tpu.memref_slice %arg2[%dma_wait3A_76, %dma_wait3A_77] : memref<10240x128xf32, #tpu.memory_space<hbm>> -> memref<10240x128xf32, #tpu.memory_space<hbm>>
        tpu.wait_indirect_dma semaphore(%arg11 : memref<!tpu.dma_semaphore, #tpu.memory_space<semaphore_mem>>) src(%dma_wait3A_78 : memref<10240x128xf32, #tpu.memory_space<hbm>>) dst(%arg8 : memref<128x128xf32, #tpu.memory_space<vmem>>)
        "tpu.region"() ({
          %run_scoped3A = tpu.sem_alloc : memref<!tpu.dma_semaphore, #tpu.memory_space<semaphore_mem>>
          %dma_start3A_100 = arith.constant 0 : i32
          %dma_start3A_101 = tpu.memref_slice %arg7[%add3A_73, %dma_start3A_100] : memref<8x128xi32, #tpu.memory_space<vmem>> -> memref<1x128xi32, #tpu.memory_space<vmem>>
          %dma_start3A_102 = tpu.memref_squeeze %dma_start3A_101 : memref<1x128xi32, #tpu.memory_space<vmem>> -> memref<128xi32, #tpu.memory_space<vmem>>
          %dma_start3A_103 = arith.constant 0 : i32
          %dma_start3A_104 = arith.constant 0 : i32
          %dma_start3A_105 = tpu.memref_slice %arg10[%dma_start3A_103, %dma_start3A_104] : memref<10240x128xf32, #tpu.memory_space<vmem_shared>> -> memref<10240x128xf32, #tpu.memory_space<vmem_shared>>
          tpu.enqueue_indirect_dma source(%arg8 : memref<128x128xf32, #tpu.memory_space<vmem>>) target(%dma_start3A_105 : memref<10240x128xf32, #tpu.memory_space<vmem_shared>>) offsets(%dma_start3A_102 : memref<128xi32, #tpu.memory_space<vmem>>) semaphore(%run_scoped3A : memref<!tpu.dma_semaphore, #tpu.memory_space<semaphore_mem>>) {add = true}
          %dma_wait3A_106 = arith.constant 0 : i32
          %dma_wait3A_107 = tpu.memref_slice %arg7[%add3A_73, %dma_wait3A_106] : memref<8x128xi32, #tpu.memory_space<vmem>> -> memref<1x128xi32, #tpu.memory_space<vmem>>
          %dma_wait3A_108 = tpu.memref_squeeze %dma_wait3A_107 : memref<1x128xi32, #tpu.memory_space<vmem>> -> memref<128xi32, #tpu.memory_space<vmem>>
          %dma_wait3A_109 = arith.constant 0 : i32
          %dma_wait3A_110 = arith.constant 0 : i32
          %dma_wait3A_111 = tpu.memref_slice %arg10[%dma_wait3A_109, %dma_wait3A_110] : memref<10240x128xf32, #tpu.memory_space<vmem_shared>> -> memref<10240x128xf32, #tpu.memory_space<vmem_shared>>
          tpu.wait_indirect_dma semaphore(%run_scoped3A : memref<!tpu.dma_semaphore, #tpu.memory_space<semaphore_mem>>) src(%arg8 : memref<128x128xf32, #tpu.memory_space<vmem>>) dst(%dma_wait3A_111 : memref<10240x128xf32, #tpu.memory_space<vmem_shared>>)
          tpu.yield
        }) : () -> ()
        %add3A_79 = arith.constant 2 : i32
        %add3A_80 = arith.addi %add3A_73, %add3A_79 : i32
        %lt3A = arith.constant 8 : i32
        %lt3A_81 = arith.cmpi slt, %add3A_80, %lt3A : i32
        %convert_element_type3A = arith.extui %lt3A_81 : i1 to i32
        %cond3A = arith.constant 0 : i32
        %cond3A_82 = arith.cmpi ne, %convert_element_type3A, %cond3A : i32
        scf.if %cond3A_82 {
          %add3A_100 = arith.constant 2 : i32
          %add3A_101 = arith.addi %add3A_73, %add3A_100 : i32
          %dma_start3A_102 = arith.constant 0 : i32
          %dma_start3A_103 = tpu.memref_slice %arg6[%add3A_101, %dma_start3A_102] : memref<8x128xi32, #tpu.memory_space<vmem>> -> memref<1x128xi32, #tpu.memory_space<vmem>>
          %dma_start3A_104 = tpu.memref_squeeze %dma_start3A_103 : memref<1x128xi32, #tpu.memory_space<vmem>> -> memref<128xi32, #tpu.memory_space<vmem>>
          %dma_start3A_105 = arith.constant 0 : i32
          %dma_start3A_106 = arith.constant 0 : i32
          %dma_start3A_107 = tpu.memref_slice %arg2[%dma_start3A_105, %dma_start3A_106] : memref<10240x128xf32, #tpu.memory_space<hbm>> -> memref<10240x128xf32, #tpu.memory_space<hbm>>
          tpu.enqueue_indirect_dma source(%dma_start3A_107 : memref<10240x128xf32, #tpu.memory_space<hbm>>) target(%arg8 : memref<128x128xf32, #tpu.memory_space<vmem>>) offsets(%dma_start3A_104 : memref<128xi32, #tpu.memory_space<vmem>>) semaphore(%arg11 : memref<!tpu.dma_semaphore, #tpu.memory_space<semaphore_mem>>)
        } else {
        }
        %mul3A_83 = arith.constant 2 : i32
        %mul3A_84 = arith.muli %scan3A_69, %mul3A_83 : i32
        %add3A_85 = arith.constant 1 : i32
        %add3A_86 = arith.addi %mul3A_84, %add3A_85 : i32
        %dma_wait3A_87 = arith.constant 0 : i32
        %dma_wait3A_88 = tpu.memref_slice %arg6[%add3A_86, %dma_wait3A_87] : memref<8x128xi32, #tpu.memory_space<vmem>> -> memref<1x128xi32, #tpu.memory_space<vmem>>
        %dma_wait3A_89 = tpu.memref_squeeze %dma_wait3A_88 : memref<1x128xi32, #tpu.memory_space<vmem>> -> memref<128xi32, #tpu.memory_space<vmem>>
        %dma_wait3A_90 = arith.constant 0 : i32
        %dma_wait3A_91 = arith.constant 0 : i32
        %dma_wait3A_92 = tpu.memref_slice %arg2[%dma_wait3A_90, %dma_wait3A_91] : memref<10240x128xf32, #tpu.memory_space<hbm>> -> memref<10240x128xf32, #tpu.memory_space<hbm>>
        tpu.wait_indirect_dma semaphore(%arg11 : memref<!tpu.dma_semaphore, #tpu.memory_space<semaphore_mem>>) src(%dma_wait3A_92 : memref<10240x128xf32, #tpu.memory_space<hbm>>) dst(%arg9 : memref<128x128xf32, #tpu.memory_space<vmem>>)
        "tpu.region"() ({
          %run_scoped3A = tpu.sem_alloc : memref<!tpu.dma_semaphore, #tpu.memory_space<semaphore_mem>>
          %dma_start3A_100 = arith.constant 0 : i32
          %dma_start3A_101 = tpu.memref_slice %arg7[%add3A_86, %dma_start3A_100] : memref<8x128xi32, #tpu.memory_space<vmem>> -> memref<1x128xi32, #tpu.memory_space<vmem>>
          %dma_start3A_102 = tpu.memref_squeeze %dma_start3A_101 : memref<1x128xi32, #tpu.memory_space<vmem>> -> memref<128xi32, #tpu.memory_space<vmem>>
          %dma_start3A_103 = arith.constant 0 : i32
          %dma_start3A_104 = arith.constant 0 : i32
          %dma_start3A_105 = tpu.memref_slice %arg10[%dma_start3A_103, %dma_start3A_104] : memref<10240x128xf32, #tpu.memory_space<vmem_shared>> -> memref<10240x128xf32, #tpu.memory_space<vmem_shared>>
          tpu.enqueue_indirect_dma source(%arg9 : memref<128x128xf32, #tpu.memory_space<vmem>>) target(%dma_start3A_105 : memref<10240x128xf32, #tpu.memory_space<vmem_shared>>) offsets(%dma_start3A_102 : memref<128xi32, #tpu.memory_space<vmem>>) semaphore(%run_scoped3A : memref<!tpu.dma_semaphore, #tpu.memory_space<semaphore_mem>>) {add = true}
          %dma_wait3A_106 = arith.constant 0 : i32
          %dma_wait3A_107 = tpu.memref_slice %arg7[%add3A_86, %dma_wait3A_106] : memref<8x128xi32, #tpu.memory_space<vmem>> -> memref<1x128xi32, #tpu.memory_space<vmem>>
          %dma_wait3A_108 = tpu.memref_squeeze %dma_wait3A_107 : memref<1x128xi32, #tpu.memory_space<vmem>> -> memref<128xi32, #tpu.memory_space<vmem>>
          %dma_wait3A_109 = arith.constant 0 : i32
          %dma_wait3A_110 = arith.constant 0 : i32
          %dma_wait3A_111 = tpu.memref_slice %arg10[%dma_wait3A_109, %dma_wait3A_110] : memref<10240x128xf32, #tpu.memory_space<vmem_shared>> -> memref<10240x128xf32, #tpu.memory_space<vmem_shared>>
          tpu.wait_indirect_dma semaphore(%run_scoped3A : memref<!tpu.dma_semaphore, #tpu.memory_space<semaphore_mem>>) src(%arg9 : memref<128x128xf32, #tpu.memory_space<vmem>>) dst(%dma_wait3A_111 : memref<10240x128xf32, #tpu.memory_space<vmem_shared>>)
          tpu.yield
        }) : () -> ()
        %add3A_93 = arith.constant 2 : i32
        %add3A_94 = arith.addi %add3A_86, %add3A_93 : i32
        %lt3A_95 = arith.constant 8 : i32
        %lt3A_96 = arith.cmpi slt, %add3A_94, %lt3A_95 : i32
        %convert_element_type3A_97 = arith.extui %lt3A_96 : i1 to i32
        %cond3A_98 = arith.constant 0 : i32
        %cond3A_99 = arith.cmpi ne, %convert_element_type3A_97, %cond3A_98 : i32
        scf.if %cond3A_99 {
          %add3A_100 = arith.constant 2 : i32
          %add3A_101 = arith.addi %add3A_86, %add3A_100 : i32
          %dma_start3A_102 = arith.constant 0 : i32
          %dma_start3A_103 = tpu.memref_slice %arg6[%add3A_101, %dma_start3A_102] : memref<8x128xi32, #tpu.memory_space<vmem>> -> memref<1x128xi32, #tpu.memory_space<vmem>>
          %dma_start3A_104 = tpu.memref_squeeze %dma_start3A_103 : memref<1x128xi32, #tpu.memory_space<vmem>> -> memref<128xi32, #tpu.memory_space<vmem>>
          %dma_start3A_105 = arith.constant 0 : i32
          %dma_start3A_106 = arith.constant 0 : i32
          %dma_start3A_107 = tpu.memref_slice %arg2[%dma_start3A_105, %dma_start3A_106] : memref<10240x128xf32, #tpu.memory_space<hbm>> -> memref<10240x128xf32, #tpu.memory_space<hbm>>
          tpu.enqueue_indirect_dma source(%dma_start3A_107 : memref<10240x128xf32, #tpu.memory_space<hbm>>) target(%arg9 : memref<128x128xf32, #tpu.memory_space<vmem>>) offsets(%dma_start3A_104 : memref<128xi32, #tpu.memory_space<vmem>>) semaphore(%arg11 : memref<!tpu.dma_semaphore, #tpu.memory_space<semaphore_mem>>)
        } else {
        }
      }
      %scan3A_68 = arith.constant 4 : i32
    }
    %while3A_41 = arith.constant 1 : i32
    scf.for %while3A_47 = %while3A_39 to %while3A_35 step %while3A_41  : i32 {
      %mul3A_48 = arith.constant 8 : i32
      %mul3A_49 = arith.muli %while3A_47, %mul3A_48 : i32
      %add3A_50 = arith.addi %select_n3A_8, %mul3A_49 : i32
      "tpu.region"() ({
        %run_scoped3A = tpu.sem_alloc : memref<!tpu.dma_semaphore, #tpu.memory_space<semaphore_mem>>
        %dma_start3A_69 = arith.constant 0 : i32
        %dma_start3A_70 = tpu.memref_slice %arg3[%add3A_50, %dma_start3A_69] : memref<2560x128xi32, #tpu.memory_space<hbm>> -> memref<8x128xi32, #tpu.memory_space<hbm>>
        %dma_start3A_71 = arith.constant 0 : i32
        %dma_start3A_72 = tpu.memref_slice %arg3[%add3A_50, %dma_start3A_71] : memref<2560x128xi32, #tpu.memory_space<hbm>> -> memref<8x128xi32, #tpu.memory_space<hbm>>
        tpu.enqueue_dma source(%dma_start3A_72 : memref<8x128xi32, #tpu.memory_space<hbm>>) target(%arg6 : memref<8x128xi32, #tpu.memory_space<vmem>>) target_semaphore(%run_scoped3A : memref<!tpu.dma_semaphore, #tpu.memory_space<semaphore_mem>>)
        %dma_wait3A = arith.constant 0 : i32
        %dma_wait3A_73 = tpu.memref_slice %arg3[%add3A_50, %dma_wait3A] : memref<2560x128xi32, #tpu.memory_space<hbm>> -> memref<8x128xi32, #tpu.memory_space<hbm>>
        %dma_wait3A_74 = arith.constant 0 : i32
        %dma_wait3A_75 = tpu.memref_slice %arg3[%add3A_50, %dma_wait3A_74] : memref<2560x128xi32, #tpu.memory_space<hbm>> -> memref<8x128xi32, #tpu.memory_space<hbm>>
        tpu.wait_dma2 semaphore(%run_scoped3A : memref<!tpu.dma_semaphore, #tpu.memory_space<semaphore_mem>>) src(%dma_wait3A_75 : memref<8x128xi32, #tpu.memory_space<hbm>>) dst(%arg6 : memref<8x128xi32, #tpu.memory_space<vmem>>)
        tpu.yield
      }) : () -> ()
      "tpu.region"() ({
        %run_scoped3A = tpu.sem_alloc : memref<!tpu.dma_semaphore, #tpu.memory_space<semaphore_mem>>
        %dma_start3A_69 = arith.constant 0 : i32
        %dma_start3A_70 = tpu.memref_slice %arg4[%add3A_50, %dma_start3A_69] : memref<2560x128xi32, #tpu.memory_space<hbm>> -> memref<8x128xi32, #tpu.memory_space<hbm>>
        %dma_start3A_71 = arith.constant 0 : i32
        %dma_start3A_72 = tpu.memref_slice %arg4[%add3A_50, %dma_start3A_71] : memref<2560x128xi32, #tpu.memory_space<hbm>> -> memref<8x128xi32, #tpu.memory_space<hbm>>
        tpu.enqueue_dma source(%dma_start3A_72 : memref<8x128xi32, #tpu.memory_space<hbm>>) target(%arg7 : memref<8x128xi32, #tpu.memory_space<vmem>>) target_semaphore(%run_scoped3A : memref<!tpu.dma_semaphore, #tpu.memory_space<semaphore_mem>>)
        %dma_wait3A = arith.constant 0 : i32
        %dma_wait3A_73 = tpu.memref_slice %arg4[%add3A_50, %dma_wait3A] : memref<2560x128xi32, #tpu.memory_space<hbm>> -> memref<8x128xi32, #tpu.memory_space<hbm>>
        %dma_wait3A_74 = arith.constant 0 : i32
        %dma_wait3A_75 = tpu.memref_slice %arg4[%add3A_50, %dma_wait3A_74] : memref<2560x128xi32, #tpu.memory_space<hbm>> -> memref<8x128xi32, #tpu.memory_space<hbm>>
        tpu.wait_dma2 semaphore(%run_scoped3A : memref<!tpu.dma_semaphore, #tpu.memory_space<semaphore_mem>>) src(%dma_wait3A_75 : memref<8x128xi32, #tpu.memory_space<hbm>>) dst(%arg7 : memref<8x128xi32, #tpu.memory_space<vmem>>)
        tpu.yield
      }) : () -> ()
      %dma_start3A = arith.constant 0 : i32
      %dma_start3A_51 = arith.constant 0 : i32
      %dma_start3A_52 = tpu.memref_slice %arg6[%dma_start3A, %dma_start3A_51] : memref<8x128xi32, #tpu.memory_space<vmem>> -> memref<1x128xi32, #tpu.memory_space<vmem>>
      %dma_start3A_53 = tpu.memref_squeeze %dma_start3A_52 : memref<1x128xi32, #tpu.memory_space<vmem>> -> memref<128xi32, #tpu.memory_space<vmem>>
      %dma_start3A_54 = arith.constant 0 : i32
      %dma_start3A_55 = arith.constant 0 : i32
      %dma_start3A_56 = tpu.memref_slice %arg2[%dma_start3A_54, %dma_start3A_55] : memref<10240x128xf32, #tpu.memory_space<hbm>> -> memref<10240x128xf32, #tpu.memory_space<hbm>>
      tpu.enqueue_indirect_dma source(%dma_start3A_56 : memref<10240x128xf32, #tpu.memory_space<hbm>>) target(%arg8 : memref<128x128xf32, #tpu.memory_space<vmem>>) offsets(%dma_start3A_53 : memref<128xi32, #tpu.memory_space<vmem>>) semaphore(%arg11 : memref<!tpu.dma_semaphore, #tpu.memory_space<semaphore_mem>>)
      %dma_start3A_57 = arith.constant 1 : i32
      %dma_start3A_58 = arith.constant 0 : i32
      %dma_start3A_59 = tpu.memref_slice %arg6[%dma_start3A_57, %dma_start3A_58] : memref<8x128xi32, #tpu.memory_space<vmem>> -> memref<1x128xi32, #tpu.memory_space<vmem>>
      %dma_start3A_60 = tpu.memref_squeeze %dma_start3A_59 : memref<1x128xi32, #tpu.memory_space<vmem>> -> memref<128xi32, #tpu.memory_space<vmem>>
      %dma_start3A_61 = arith.constant 0 : i32
      %dma_start3A_62 = arith.constant 0 : i32
      %dma_start3A_63 = tpu.memref_slice %arg2[%dma_start3A_61, %dma_start3A_62] : memref<10240x128xf32, #tpu.memory_space<hbm>> -> memref<10240x128xf32, #tpu.memory_space<hbm>>
      tpu.enqueue_indirect_dma source(%dma_start3A_63 : memref<10240x128xf32, #tpu.memory_space<hbm>>) target(%arg9 : memref<128x128xf32, #tpu.memory_space<vmem>>) offsets(%dma_start3A_60 : memref<128xi32, #tpu.memory_space<vmem>>) semaphore(%arg11 : memref<!tpu.dma_semaphore, #tpu.memory_space<semaphore_mem>>)
      %scan3A_64 = arith.constant 0 : i32
      %scan3A_65 = arith.constant 4 : i32
      %scan3A_66 = arith.addi %scan3A_64, %scan3A_65 : i32
      %scan3A_67 = arith.constant 1 : i32
      scf.for %scan3A_69 = %scan3A_64 to %scan3A_66 step %scan3A_67  : i32 {
        %mul3A_70 = arith.constant 2 : i32
        %mul3A_71 = arith.muli %scan3A_69, %mul3A_70 : i32
        %add3A_72 = arith.constant 0 : i32
        %add3A_73 = arith.addi %mul3A_71, %add3A_72 : i32
        %dma_wait3A = arith.constant 0 : i32
        %dma_wait3A_74 = tpu.memref_slice %arg6[%add3A_73, %dma_wait3A] : memref<8x128xi32, #tpu.memory_space<vmem>> -> memref<1x128xi32, #tpu.memory_space<vmem>>
        %dma_wait3A_75 = tpu.memref_squeeze %dma_wait3A_74 : memref<1x128xi32, #tpu.memory_space<vmem>> -> memref<128xi32, #tpu.memory_space<vmem>>
        %dma_wait3A_76 = arith.constant 0 : i32
        %dma_wait3A_77 = arith.constant 0 : i32
        %dma_wait3A_78 = tpu.memref_slice %arg2[%dma_wait3A_76, %dma_wait3A_77] : memref<10240x128xf32, #tpu.memory_space<hbm>> -> memref<10240x128xf32, #tpu.memory_space<hbm>>
        tpu.wait_indirect_dma semaphore(%arg11 : memref<!tpu.dma_semaphore, #tpu.memory_space<semaphore_mem>>) src(%dma_wait3A_78 : memref<10240x128xf32, #tpu.memory_space<hbm>>) dst(%arg8 : memref<128x128xf32, #tpu.memory_space<vmem>>)
        "tpu.region"() ({
          %run_scoped3A = tpu.sem_alloc : memref<!tpu.dma_semaphore, #tpu.memory_space<semaphore_mem>>
          %dma_start3A_100 = arith.constant 0 : i32
          %dma_start3A_101 = tpu.memref_slice %arg7[%add3A_73, %dma_start3A_100] : memref<8x128xi32, #tpu.memory_space<vmem>> -> memref<1x128xi32, #tpu.memory_space<vmem>>
          %dma_start3A_102 = tpu.memref_squeeze %dma_start3A_101 : memref<1x128xi32, #tpu.memory_space<vmem>> -> memref<128xi32, #tpu.memory_space<vmem>>
          %dma_start3A_103 = arith.constant 0 : i32
          %dma_start3A_104 = arith.constant 0 : i32
          %dma_start3A_105 = tpu.memref_slice %arg10[%dma_start3A_103, %dma_start3A_104] : memref<10240x128xf32, #tpu.memory_space<vmem_shared>> -> memref<10240x128xf32, #tpu.memory_space<vmem_shared>>
          tpu.enqueue_indirect_dma source(%arg8 : memref<128x128xf32, #tpu.memory_space<vmem>>) target(%dma_start3A_105 : memref<10240x128xf32, #tpu.memory_space<vmem_shared>>) offsets(%dma_start3A_102 : memref<128xi32, #tpu.memory_space<vmem>>) semaphore(%run_scoped3A : memref<!tpu.dma_semaphore, #tpu.memory_space<semaphore_mem>>) {add = true}
          %dma_wait3A_106 = arith.constant 0 : i32
          %dma_wait3A_107 = tpu.memref_slice %arg7[%add3A_73, %dma_wait3A_106] : memref<8x128xi32, #tpu.memory_space<vmem>> -> memref<1x128xi32, #tpu.memory_space<vmem>>
          %dma_wait3A_108 = tpu.memref_squeeze %dma_wait3A_107 : memref<1x128xi32, #tpu.memory_space<vmem>> -> memref<128xi32, #tpu.memory_space<vmem>>
          %dma_wait3A_109 = arith.constant 0 : i32
          %dma_wait3A_110 = arith.constant 0 : i32
          %dma_wait3A_111 = tpu.memref_slice %arg10[%dma_wait3A_109, %dma_wait3A_110] : memref<10240x128xf32, #tpu.memory_space<vmem_shared>> -> memref<10240x128xf32, #tpu.memory_space<vmem_shared>>
          tpu.wait_indirect_dma semaphore(%run_scoped3A : memref<!tpu.dma_semaphore, #tpu.memory_space<semaphore_mem>>) src(%arg8 : memref<128x128xf32, #tpu.memory_space<vmem>>) dst(%dma_wait3A_111 : memref<10240x128xf32, #tpu.memory_space<vmem_shared>>)
          tpu.yield
        }) : () -> ()
        %add3A_79 = arith.constant 2 : i32
        %add3A_80 = arith.addi %add3A_73, %add3A_79 : i32
        %lt3A = arith.constant 8 : i32
        %lt3A_81 = arith.cmpi slt, %add3A_80, %lt3A : i32
        %convert_element_type3A = arith.extui %lt3A_81 : i1 to i32
        %cond3A = arith.constant 0 : i32
        %cond3A_82 = arith.cmpi ne, %convert_element_type3A, %cond3A : i32
        scf.if %cond3A_82 {
          %add3A_100 = arith.constant 2 : i32
          %add3A_101 = arith.addi %add3A_73, %add3A_100 : i32
          %dma_start3A_102 = arith.constant 0 : i32
          %dma_start3A_103 = tpu.memref_slice %arg6[%add3A_101, %dma_start3A_102] : memref<8x128xi32, #tpu.memory_space<vmem>> -> memref<1x128xi32, #tpu.memory_space<vmem>>
          %dma_start3A_104 = tpu.memref_squeeze %dma_start3A_103 : memref<1x128xi32, #tpu.memory_space<vmem>> -> memref<128xi32, #tpu.memory_space<vmem>>
          %dma_start3A_105 = arith.constant 0 : i32
          %dma_start3A_106 = arith.constant 0 : i32
          %dma_start3A_107 = tpu.memref_slice %arg2[%dma_start3A_105, %dma_start3A_106] : memref<10240x128xf32, #tpu.memory_space<hbm>> -> memref<10240x128xf32, #tpu.memory_space<hbm>>
          tpu.enqueue_indirect_dma source(%dma_start3A_107 : memref<10240x128xf32, #tpu.memory_space<hbm>>) target(%arg8 : memref<128x128xf32, #tpu.memory_space<vmem>>) offsets(%dma_start3A_104 : memref<128xi32, #tpu.memory_space<vmem>>) semaphore(%arg11 : memref<!tpu.dma_semaphore, #tpu.memory_space<semaphore_mem>>)
        } else {
        }
        %mul3A_83 = arith.constant 2 : i32
        %mul3A_84 = arith.muli %scan3A_69, %mul3A_83 : i32
        %add3A_85 = arith.constant 1 : i32
        %add3A_86 = arith.addi %mul3A_84, %add3A_85 : i32
        %dma_wait3A_87 = arith.constant 0 : i32
        %dma_wait3A_88 = tpu.memref_slice %arg6[%add3A_86, %dma_wait3A_87] : memref<8x128xi32, #tpu.memory_space<vmem>> -> memref<1x128xi32, #tpu.memory_space<vmem>>
        %dma_wait3A_89 = tpu.memref_squeeze %dma_wait3A_88 : memref<1x128xi32, #tpu.memory_space<vmem>> -> memref<128xi32, #tpu.memory_space<vmem>>
        %dma_wait3A_90 = arith.constant 0 : i32
        %dma_wait3A_91 = arith.constant 0 : i32
        %dma_wait3A_92 = tpu.memref_slice %arg2[%dma_wait3A_90, %dma_wait3A_91] : memref<10240x128xf32, #tpu.memory_space<hbm>> -> memref<10240x128xf32, #tpu.memory_space<hbm>>
        tpu.wait_indirect_dma semaphore(%arg11 : memref<!tpu.dma_semaphore, #tpu.memory_space<semaphore_mem>>) src(%dma_wait3A_92 : memref<10240x128xf32, #tpu.memory_space<hbm>>) dst(%arg9 : memref<128x128xf32, #tpu.memory_space<vmem>>)
        "tpu.region"() ({
          %run_scoped3A = tpu.sem_alloc : memref<!tpu.dma_semaphore, #tpu.memory_space<semaphore_mem>>
          %dma_start3A_100 = arith.constant 0 : i32
          %dma_start3A_101 = tpu.memref_slice %arg7[%add3A_86, %dma_start3A_100] : memref<8x128xi32, #tpu.memory_space<vmem>> -> memref<1x128xi32, #tpu.memory_space<vmem>>
          %dma_start3A_102 = tpu.memref_squeeze %dma_start3A_101 : memref<1x128xi32, #tpu.memory_space<vmem>> -> memref<128xi32, #tpu.memory_space<vmem>>
          %dma_start3A_103 = arith.constant 0 : i32
          %dma_start3A_104 = arith.constant 0 : i32
          %dma_start3A_105 = tpu.memref_slice %arg10[%dma_start3A_103, %dma_start3A_104] : memref<10240x128xf32, #tpu.memory_space<vmem_shared>> -> memref<10240x128xf32, #tpu.memory_space<vmem_shared>>
          tpu.enqueue_indirect_dma source(%arg9 : memref<128x128xf32, #tpu.memory_space<vmem>>) target(%dma_start3A_105 : memref<10240x128xf32, #tpu.memory_space<vmem_shared>>) offsets(%dma_start3A_102 : memref<128xi32, #tpu.memory_space<vmem>>) semaphore(%run_scoped3A : memref<!tpu.dma_semaphore, #tpu.memory_space<semaphore_mem>>) {add = true}
          %dma_wait3A_106 = arith.constant 0 : i32
          %dma_wait3A_107 = tpu.memref_slice %arg7[%add3A_86, %dma_wait3A_106] : memref<8x128xi32, #tpu.memory_space<vmem>> -> memref<1x128xi32, #tpu.memory_space<vmem>>
          %dma_wait3A_108 = tpu.memref_squeeze %dma_wait3A_107 : memref<1x128xi32, #tpu.memory_space<vmem>> -> memref<128xi32, #tpu.memory_space<vmem>>
          %dma_wait3A_109 = arith.constant 0 : i32
          %dma_wait3A_110 = arith.constant 0 : i32
          %dma_wait3A_111 = tpu.memref_slice %arg10[%dma_wait3A_109, %dma_wait3A_110] : memref<10240x128xf32, #tpu.memory_space<vmem_shared>> -> memref<10240x128xf32, #tpu.memory_space<vmem_shared>>
          tpu.wait_indirect_dma semaphore(%run_scoped3A : memref<!tpu.dma_semaphore, #tpu.memory_space<semaphore_mem>>) src(%arg9 : memref<128x128xf32, #tpu.memory_space<vmem>>) dst(%dma_wait3A_111 : memref<10240x128xf32, #tpu.memory_space<vmem_shared>>)
          tpu.yield
        }) : () -> ()
        %add3A_93 = arith.constant 2 : i32
        %add3A_94 = arith.addi %add3A_86, %add3A_93 : i32
        %lt3A_95 = arith.constant 8 : i32
        %lt3A_96 = arith.cmpi slt, %add3A_94, %lt3A_95 : i32
        %convert_element_type3A_97 = arith.extui %lt3A_96 : i1 to i32
        %cond3A_98 = arith.constant 0 : i32
        %cond3A_99 = arith.cmpi ne, %convert_element_type3A_97, %cond3A_98 : i32
        scf.if %cond3A_99 {
          %add3A_100 = arith.constant 2 : i32
          %add3A_101 = arith.addi %add3A_86, %add3A_100 : i32
          %dma_start3A_102 = arith.constant 0 : i32
          %dma_start3A_103 = tpu.memref_slice %arg6[%add3A_101, %dma_start3A_102] : memref<8x128xi32, #tpu.memory_space<vmem>> -> memref<1x128xi32, #tpu.memory_space<vmem>>
          %dma_start3A_104 = tpu.memref_squeeze %dma_start3A_103 : memref<1x128xi32, #tpu.memory_space<vmem>> -> memref<128xi32, #tpu.memory_space<vmem>>
          %dma_start3A_105 = arith.constant 0 : i32
          %dma_start3A_106 = arith.constant 0 : i32
          %dma_start3A_107 = tpu.memref_slice %arg2[%dma_start3A_105, %dma_start3A_106] : memref<10240x128xf32, #tpu.memory_space<hbm>> -> memref<10240x128xf32, #tpu.memory_space<hbm>>
          tpu.enqueue_indirect_dma source(%dma_start3A_107 : memref<10240x128xf32, #tpu.memory_space<hbm>>) target(%arg9 : memref<128x128xf32, #tpu.memory_space<vmem>>) offsets(%dma_start3A_104 : memref<128xi32, #tpu.memory_space<vmem>>) semaphore(%arg11 : memref<!tpu.dma_semaphore, #tpu.memory_space<semaphore_mem>>)
        } else {
        }
      }
      %scan3A_68 = arith.constant 4 : i32
    }
    %barrier3A_42 = arith.constant 0 : index
    tpu.barrier barrier_id(%barrier3A_42)
    %mul3A_43 = arith.constant 640 : i32
    %mul3A_44 = arith.muli %arg1, %mul3A_43 : i32
    %mul3A_45 = arith.constant 640 : i32
    %mul3A_46 = arith.muli %arg1, %mul3A_45 : i32
    "tpu.region"() ({
      %run_scoped3A = tpu.sem_alloc : memref<!tpu.dma_semaphore, #tpu.memory_space<semaphore_mem>>
      %dma_start3A = arith.constant 0 : i32
      %dma_start3A_47 = arith.constant 0 : i32
      %dma_start3A_48 = tpu.memref_slice %arg5[%arg0, %dma_start3A, %dma_start3A_47] : memref<2x10240x128xf32, #tpu.memory_space<hbm>> -> memref<1x10240x128xf32, #tpu.memory_space<hbm>>
      %dma_start3A_49 = tpu.memref_squeeze %dma_start3A_48 : memref<1x10240x128xf32, #tpu.memory_space<hbm>> -> memref<10240x128xf32, #tpu.memory_space<hbm>>
      %dma_start3A_50 = arith.constant 0 : i32
      %dma_start3A_51 = tpu.memref_slice %dma_start3A_49[%mul3A_46, %dma_start3A_50] : memref<10240x128xf32, #tpu.memory_space<hbm>> -> memref<640x128xf32, #tpu.memory_space<hbm>>
      %dma_start3A_52 = arith.constant 0 : i32
      %dma_start3A_53 = tpu.memref_slice %arg10[%mul3A_44, %dma_start3A_52] : memref<10240x128xf32, #tpu.memory_space<vmem_shared>> -> memref<640x128xf32, #tpu.memory_space<vmem_shared>>
      tpu.enqueue_dma source(%dma_start3A_53 : memref<640x128xf32, #tpu.memory_space<vmem_shared>>) target(%dma_start3A_51 : memref<640x128xf32, #tpu.memory_space<hbm>>) target_semaphore(%run_scoped3A : memref<!tpu.dma_semaphore, #tpu.memory_space<semaphore_mem>>)
      %dma_wait3A = arith.constant 0 : i32
      %dma_wait3A_54 = arith.constant 0 : i32
      %dma_wait3A_55 = tpu.memref_slice %arg5[%arg0, %dma_wait3A, %dma_wait3A_54] : memref<2x10240x128xf32, #tpu.memory_space<hbm>> -> memref<1x10240x128xf32, #tpu.memory_space<hbm>>
      %dma_wait3A_56 = tpu.memref_squeeze %dma_wait3A_55 : memref<1x10240x128xf32, #tpu.memory_space<hbm>> -> memref<10240x128xf32, #tpu.memory_space<hbm>>
      %dma_wait3A_57 = arith.constant 0 : i32
      %dma_wait3A_58 = tpu.memref_slice %dma_wait3A_56[%mul3A_46, %dma_wait3A_57] : memref<10240x128xf32, #tpu.memory_space<hbm>> -> memref<640x128xf32, #tpu.memory_space<hbm>>
      %dma_wait3A_59 = arith.constant 0 : i32
      %dma_wait3A_60 = tpu.memref_slice %arg10[%mul3A_44, %dma_wait3A_59] : memref<10240x128xf32, #tpu.memory_space<vmem_shared>> -> memref<640x128xf32, #tpu.memory_space<vmem_shared>>
      tpu.wait_dma2 semaphore(%run_scoped3A : memref<!tpu.dma_semaphore, #tpu.memory_space<semaphore_mem>>) src(%dma_wait3A_60 : memref<640x128xf32, #tpu.memory_space<vmem_shared>>) dst(%dma_wait3A_58 : memref<640x128xf32, #tpu.memory_space<hbm>>)
      tpu.yield
    }) : () -> ()
    return
  }
}

#map = affine_map<(d0, d1) -> (0)>
#map1 = affine_map<(d0, d1) -> (0, 0)>
module attributes {stable_mosaic.version = 14 : i64} {
  func.func @_deg_sc(%arg0: i32, %arg1: i32, %arg2: memref<327680xi32, #tpu.memory_space<hbm>>, %arg3: memref<10240xf32, #tpu.memory_space<hbm>>, %arg4: memref<32x10240xf32, #tpu.memory_space<hbm>>, %arg5: memref<10240xi32, #tpu.memory_space<vmem>>, %arg6: memref<10240xf32, #tpu.memory_space<vmem>>) attributes {dimension_semantics = [#tpu.dimension_semantics<core_parallel>, #tpu.dimension_semantics<subcore_parallel>], iteration_bounds = array<i64: 2, 16>, scalar_prefetch = 0 : i64, scratch_operands = 2 : i64, tpu.core_type = #tpu.core_type<sc_vector_subcore>, window_params = [{transform_indices = #map}, {transform_indices = #map}, {transform_indices = #map1}]} {
    %mul3A = arith.constant 16 : i32
    %mul3A_0 = arith.muli %arg0, %mul3A : i32
    %add3A = arith.addi %mul3A_0, %arg1 : i32
    "tpu.region"() ({
      %run_scoped3A = tpu.sem_alloc : memref<!tpu.dma_semaphore, #tpu.memory_space<semaphore_mem>>
      tpu.enqueue_dma source(%arg3 : memref<10240xf32, #tpu.memory_space<hbm>>) target(%arg6 : memref<10240xf32, #tpu.memory_space<vmem>>) target_semaphore(%run_scoped3A : memref<!tpu.dma_semaphore, #tpu.memory_space<semaphore_mem>>)
      tpu.wait_dma2 semaphore(%run_scoped3A : memref<!tpu.dma_semaphore, #tpu.memory_space<semaphore_mem>>) src(%arg3 : memref<10240xf32, #tpu.memory_space<hbm>>) dst(%arg6 : memref<10240xf32, #tpu.memory_space<vmem>>)
      tpu.yield
    }) : () -> ()
    %mul3A_1 = arith.constant 10240 : i32
    %mul3A_2 = arith.muli %add3A, %mul3A_1 : i32
    "tpu.region"() ({
      %run_scoped3A = tpu.sem_alloc : memref<!tpu.dma_semaphore, #tpu.memory_space<semaphore_mem>>
      %dma_start3A = tpu.memref_slice %arg2[%mul3A_2] : memref<327680xi32, #tpu.memory_space<hbm>> -> memref<10240xi32, #tpu.memory_space<hbm>>
      %dma_start3A_8 = tpu.memref_slice %arg2[%mul3A_2] : memref<327680xi32, #tpu.memory_space<hbm>> -> memref<10240xi32, #tpu.memory_space<hbm>>
      tpu.enqueue_dma source(%dma_start3A_8 : memref<10240xi32, #tpu.memory_space<hbm>>) target(%arg5 : memref<10240xi32, #tpu.memory_space<vmem>>) target_semaphore(%run_scoped3A : memref<!tpu.dma_semaphore, #tpu.memory_space<semaphore_mem>>)
      %dma_wait3A = tpu.memref_slice %arg2[%mul3A_2] : memref<327680xi32, #tpu.memory_space<hbm>> -> memref<10240xi32, #tpu.memory_space<hbm>>
      %dma_wait3A_9 = tpu.memref_slice %arg2[%mul3A_2] : memref<327680xi32, #tpu.memory_space<hbm>> -> memref<10240xi32, #tpu.memory_space<hbm>>
      tpu.wait_dma2 semaphore(%run_scoped3A : memref<!tpu.dma_semaphore, #tpu.memory_space<semaphore_mem>>) src(%dma_wait3A_9 : memref<10240xi32, #tpu.memory_space<hbm>>) dst(%arg5 : memref<10240xi32, #tpu.memory_space<vmem>>)
      tpu.yield
    }) : () -> ()
    %broadcast_in_dim3A = arith.constant 1.000000e+00 : f32
    %broadcast_in_dim3A_3 = vector.broadcast %broadcast_in_dim3A : f32 to vector<16xf32>
    %scan3A = arith.constant 0 : i32
    %scan3A_4 = arith.constant 640 : i32
    %scan3A_5 = arith.addi %scan3A, %scan3A_4 : i32
    %scan3A_6 = arith.constant 1 : i32
    scf.for %scan3A_8 = %scan3A to %scan3A_5 step %scan3A_6  : i32 {
      %mul3A_9 = arith.constant 16 : i32
      %mul3A_10 = arith.muli %scan3A_8, %mul3A_9 : i32
      %get3A = arith.index_cast %mul3A_10 : i32 to index
      %get3A_11 = tpu.vector_load %arg5[%get3A] {strides = array<i32>} : memref<10240xi32, #tpu.memory_space<vmem>>, vector<16xi32>,
      tpu.vector_store_idx %arg6[%get3A_11], %broadcast_in_dim3A_3 {add = true} : memref<10240xf32, #tpu.memory_space<vmem>>[vector<16xi32>], vector<16xf32>,
    }
    %scan3A_7 = arith.constant 640 : i32
    "tpu.region"() ({
      %run_scoped3A = tpu.sem_alloc : memref<!tpu.dma_semaphore, #tpu.memory_space<semaphore_mem>>
      %dma_start3A = arith.constant 0 : i32
      %dma_start3A_8 = tpu.memref_slice %arg4[%add3A, %dma_start3A] : memref<32x10240xf32, #tpu.memory_space<hbm>> -> memref<1x10240xf32, #tpu.memory_space<hbm>>
      %dma_start3A_9 = tpu.memref_squeeze %dma_start3A_8 : memref<1x10240xf32, #tpu.memory_space<hbm>> -> memref<10240xf32, #tpu.memory_space<hbm>>
      %dma_start3A_10 = arith.constant 0 : i32
      %dma_start3A_11 = tpu.memref_slice %arg4[%add3A, %dma_start3A_10] : memref<32x10240xf32, #tpu.memory_space<hbm>> -> memref<1x10240xf32, #tpu.memory_space<hbm>>
      %dma_start3A_12 = tpu.memref_squeeze %dma_start3A_11 : memref<1x10240xf32, #tpu.memory_space<hbm>> -> memref<10240xf32, #tpu.memory_space<hbm>>
      tpu.enqueue_dma source(%arg6 : memref<10240xf32, #tpu.memory_space<vmem>>) target(%dma_start3A_12 : memref<10240xf32, #tpu.memory_space<hbm>>) target_semaphore(%run_scoped3A : memref<!tpu.dma_semaphore, #tpu.memory_space<semaphore_mem>>)
      %dma_wait3A = arith.constant 0 : i32
      %dma_wait3A_13 = tpu.memref_slice %arg4[%add3A, %dma_wait3A] : memref<32x10240xf32, #tpu.memory_space<hbm>> -> memref<1x10240xf32, #tpu.memory_space<hbm>>
      %dma_wait3A_14 = tpu.memref_squeeze %dma_wait3A_13 : memref<1x10240xf32, #tpu.memory_space<hbm>> -> memref<10240xf32, #tpu.memory_space<hbm>>
      %dma_wait3A_15 = arith.constant 0 : i32
      %dma_wait3A_16 = tpu.memref_slice %arg4[%add3A, %dma_wait3A_15] : memref<32x10240xf32, #tpu.memory_space<hbm>> -> memref<1x10240xf32, #tpu.memory_space<hbm>>
      %dma_wait3A_17 = tpu.memref_squeeze %dma_wait3A_16 : memref<1x10240xf32, #tpu.memory_space<hbm>> -> memref<10240xf32, #tpu.memory_space<hbm>>
      tpu.wait_dma2 semaphore(%run_scoped3A : memref<!tpu.dma_semaphore, #tpu.memory_space<semaphore_mem>>) src(%arg6 : memref<10240xf32, #tpu.memory_space<vmem>>) dst(%dma_wait3A_17 : memref<10240xf32, #tpu.memory_space<hbm>>)
      tpu.yield
    }) : () -> ()
    return
  }
}

module attributes {stable_mosaic.version = 14 : i64} {
  func.func @_tca_body(%arg0: i32, %arg1: memref<1024x128xf32, #tpu.memory_space<vmem>>, %arg2: memref<1024x128xf32, #tpu.memory_space<vmem>>, %arg3: memref<128x128xf32, #tpu.memory_space<vmem>>, %arg4: memref<1024x128xf32, #tpu.memory_space<vmem>>) attributes {dimension_semantics = [#tpu.dimension_semantics<arbitrary>], iteration_bounds = array<i64: 10>, scalar_prefetch = 0 : i64, scratch_operands = 0 : i64, tpu.core_type = #tpu.core_type<tc>, window_params = [{transform_indices = @transform_0, window_bounds = array<i64: 1024, 128>}, {transform_indices = @transform_1, window_bounds = array<i64: 1024, 128>}, {pipeline_mode = #tpu.pipeline_mode<synchronous>, transform_indices = @transform_2, window_bounds = array<i64: 128, 128>}, {transform_indices = @transform_3, window_bounds = array<i64: 1024, 128>}]} {
    %get3A = arith.constant 0 : index
    %get3A_0 = arith.constant 0 : index
    %get3A_1 = vector.load %arg1[%get3A, %get3A_0] : memref<1024x128xf32, #tpu.memory_space<vmem>>, vector<1024x128xf32>
    %get3A_2 = arith.constant 0 : index
    %get3A_3 = arith.constant 0 : index
    %get3A_4 = vector.load %arg3[%get3A_2, %get3A_3] : memref<128x128xf32, #tpu.memory_space<vmem>>, vector<128x128xf32>
    %dot_general3A = arith.constant dense<0.000000e+00> : vector<1024x128xf32>
    %dot_general3A_5 = tpu.matmul %get3A_1, %get3A_4, %dot_general3A {dimension_numbers = #tpu.dot_dimension_numbers<[1], [0], [0], [1], [0, 0, 1, 1], [], []>, transpose_lhs_hint = false} : vector<1024x128xf32>, vector<128x128xf32>, vector<1024x128xf32> -> vector<1024x128xf32>
    %get3A_6 = arith.constant 0 : index
    %get3A_7 = arith.constant 0 : index
    %get3A_8 = vector.load %arg2[%get3A_6, %get3A_7] : memref<1024x128xf32, #tpu.memory_space<vmem>>, vector<1024x128xf32>
    %add3A = arith.addf %dot_general3A_5, %get3A_8 : vector<1024x128xf32>
    %swap3A = arith.constant 0 : index
    %swap3A_9 = arith.constant 0 : index
    %swap3A_10 = vector.load %arg4[%swap3A, %swap3A_9] : memref<1024x128xf32, #tpu.memory_space<vmem>>, vector<1024x128xf32>
    tpu.vector_store %arg4[%swap3A, %swap3A_9], %add3A {strides = array<i32>} : memref<1024x128xf32, #tpu.memory_space<vmem>>, vector<1024x128xf32>,
    return
  }
  func.func @transform_0(%arg0: i32) -> (i32, i32) {
    %c0_i32 = arith.constant 0 : i32
    %c0_i32_0 = arith.constant 0 : i32
    return %arg0, %c0_i32 : i32, i32
  }
  func.func @transform_1(%arg0: i32) -> (i32, i32) {
    %c0_i32 = arith.constant 0 : i32
    %c0_i32_0 = arith.constant 0 : i32
    return %arg0, %c0_i32 : i32, i32
  }
  func.func @transform_2(%arg0: i32) -> (i32, i32) {
    %c0_i32 = arith.constant 0 : i32
    %c0_i32_0 = arith.constant 0 : i32
    %c0_i32_1 = arith.constant 0 : i32
    return %c0_i32, %c0_i32_0 : i32, i32
  }
  func.func @transform_3(%arg0: i32) -> (i32, i32) {
    %c0_i32 = arith.constant 0 : i32
    %c0_i32_0 = arith.constant 0 : i32
    return %arg0, %c0_i32 : i32, i32
  }
}

module attributes {stable_mosaic.version = 14 : i64} {
  func.func @_tcb_body(%arg0: i32, %arg1: memref<1024x128xf32, #tpu.memory_space<vmem>>, %arg2: memref<1024x32xf32, #tpu.memory_space<vmem>>, %arg3: memref<1024x128xf32, #tpu.memory_space<vmem>>) attributes {dimension_semantics = [#tpu.dimension_semantics<arbitrary>], iteration_bounds = array<i64: 10>, scalar_prefetch = 0 : i64, scratch_operands = 0 : i64, tpu.core_type = #tpu.core_type<tc>, window_params = [{transform_indices = @transform_0, window_bounds = array<i64: 1024, 128>}, {transform_indices = @transform_1, window_bounds = array<i64: 1024, 32>}, {transform_indices = @transform_2, window_bounds = array<i64: 1024, 128>}]} {
    %get3A = arith.constant 0 : index
    %get3A_0 = arith.constant 0 : index
    %get3A_1 = vector.load %arg1[%get3A, %get3A_0] : memref<1024x128xf32, #tpu.memory_space<vmem>>, vector<1024x128xf32>
    %get3A_2 = arith.constant 0 : index
    %get3A_3 = arith.constant 0 : index
    %get3A_4 = vector.load %arg2[%get3A_2, %get3A_3] : memref<1024x32xf32, #tpu.memory_space<vmem>>, vector<1024x32xf32>
    %reduce_sum3A = arith.constant dense<0.000000e+00> : vector<1024xf32>
    %reduce_sum3A_5 = vector.multi_reduction <add>, %get3A_4, %reduce_sum3A [1] : vector<1024x32xf32> to vector<1024xf32>
    %broadcast_in_dim3A = vector.shape_cast %reduce_sum3A_5 : vector<1024xf32> to vector<1024x1xf32>
    %max3A = arith.constant 1.000000e+00 : f32
    %max3A_6 = vector.broadcast %max3A : f32 to vector<1024x1xf32>
    %max3A_7 = arith.maximumf %broadcast_in_dim3A, %max3A_6 : vector<1024x1xf32>
    %rsqrt3A = math.rsqrt %max3A_7 : vector<1024x1xf32>
    %mul3A = vector.broadcast %rsqrt3A : vector<1024x1xf32> to vector<1024x128xf32>
    %mul3A_8 = arith.mulf %get3A_1, %mul3A : vector<1024x128xf32>
    %swap3A = arith.constant 0 : index
    %swap3A_9 = arith.constant 0 : index
    %swap3A_10 = vector.load %arg3[%swap3A, %swap3A_9] : memref<1024x128xf32, #tpu.memory_space<vmem>>, vector<1024x128xf32>
    tpu.vector_store %arg3[%swap3A, %swap3A_9], %mul3A_8 {strides = array<i32>} : memref<1024x128xf32, #tpu.memory_space<vmem>>, vector<1024x128xf32>,
    return
  }
  func.func @transform_0(%arg0: i32) -> (i32, i32) {
    %c0_i32 = arith.constant 0 : i32
    %c0_i32_0 = arith.constant 0 : i32
    return %arg0, %c0_i32 : i32, i32
  }
  func.func @transform_1(%arg0: i32) -> (i32, i32) {
    %c0_i32 = arith.constant 0 : i32
    %c0_i32_0 = arith.constant 0 : i32
    return %arg0, %c0_i32 : i32, i32
  }
  func.func @transform_2(%arg0: i32) -> (i32, i32) {
    %c0_i32 = arith.constant 0 : i32
    %c0_i32_0 = arith.constant 0 : i32
    return %arg0, %c0_i32 : i32, i32
  }
}

module attributes {stable_mosaic.version = 14 : i64} {
  func.func @_tcc_body(%arg0: i32, %arg1: memref<2x1000x128xf32, #tpu.memory_space<vmem>>, %arg2: memref<1000x32xf32, #tpu.memory_space<vmem>>, %arg3: memref<1000x128xf32, #tpu.memory_space<vmem>>) attributes {dimension_semantics = [#tpu.dimension_semantics<arbitrary>], iteration_bounds = array<i64: 10>, scalar_prefetch = 0 : i64, scratch_operands = 0 : i64, tpu.core_type = #tpu.core_type<tc>, window_params = [{transform_indices = @transform_0, window_bounds = array<i64: 2, 1000, 128>}, {transform_indices = @transform_1, window_bounds = array<i64: 1000, 32>}, {transform_indices = @transform_2, window_bounds = array<i64: 1000, 128>}]} {
    %get3A = arith.constant 0 : index
    %get3A_0 = arith.constant 0 : index
    %get3A_1 = arith.constant 0 : index
    %get3A_2 = vector.load %arg1[%get3A, %get3A_0, %get3A_1] : memref<2x1000x128xf32, #tpu.memory_space<vmem>>, vector<1x1000x128xf32>
    %get3A_3 = vector.shape_cast %get3A_2 : vector<1x1000x128xf32> to vector<1000x128xf32>
    %get3A_4 = arith.constant 1 : index
    %get3A_5 = arith.constant 0 : index
    %get3A_6 = arith.constant 0 : index
    %get3A_7 = vector.load %arg1[%get3A_4, %get3A_5, %get3A_6] : memref<2x1000x128xf32, #tpu.memory_space<vmem>>, vector<1x1000x128xf32>
    %get3A_8 = vector.shape_cast %get3A_7 : vector<1x1000x128xf32> to vector<1000x128xf32>
    %add3A = arith.addf %get3A_3, %get3A_8 : vector<1000x128xf32>
    %get3A_9 = arith.constant 0 : index
    %get3A_10 = arith.constant 0 : index
    %get3A_11 = vector.load %arg2[%get3A_9, %get3A_10] : memref<1000x32xf32, #tpu.memory_space<vmem>>, vector<1000x32xf32>
    %reduce_sum3A = arith.constant dense<0.000000e+00> : vector<1000xf32>
    %reduce_sum3A_12 = vector.multi_reduction <add>, %get3A_11, %reduce_sum3A [1] : vector<1000x32xf32> to vector<1000xf32>
    %broadcast_in_dim3A = vector.shape_cast %reduce_sum3A_12 : vector<1000xf32> to vector<1000x1xf32>
    %max3A = arith.constant 1.000000e+00 : f32
    %max3A_13 = vector.broadcast %max3A : f32 to vector<1000x1xf32>
    %max3A_14 = arith.maximumf %broadcast_in_dim3A, %max3A_13 : vector<1000x1xf32>
    %rsqrt3A = math.rsqrt %max3A_14 : vector<1000x1xf32>
    %mul3A = vector.broadcast %rsqrt3A : vector<1000x1xf32> to vector<1000x128xf32>
    %mul3A_15 = arith.mulf %add3A, %mul3A : vector<1000x128xf32>
    %max3A_16 = arith.constant 0.000000e+00 : f32
    %max3A_17 = vector.broadcast %max3A_16 : f32 to vector<1000x128xf32>
    %max3A_18 = arith.maximumf %mul3A_15, %max3A_17 : vector<1000x128xf32>
    %swap3A = arith.constant 0 : index
    %swap3A_19 = arith.constant 0 : index
    %swap3A_20 = vector.load %arg3[%swap3A, %swap3A_19] : memref<1000x128xf32, #tpu.memory_space<vmem>>, vector<1000x128xf32>
    tpu.vector_store %arg3[%swap3A, %swap3A_19], %max3A_18 {strides = array<i32>} : memref<1000x128xf32, #tpu.memory_space<vmem>>, vector<1000x128xf32>,
    return
  }
  func.func @transform_0(%arg0: i32) -> (i32, i32, i32) {
    %c0_i32 = arith.constant 0 : i32
    %c0_i32_0 = arith.constant 0 : i32
    %c0_i32_1 = arith.constant 0 : i32
    return %c0_i32, %arg0, %c0_i32_0 : i32, i32, i32
  }
  func.func @transform_1(%arg0: i32) -> (i32, i32) {
    %c0_i32 = arith.constant 0 : i32
    %c0_i32_0 = arith.constant 0 : i32
    return %arg0, %c0_i32 : i32, i32
  }
  func.func @transform_2(%arg0: i32) -> (i32, i32) {
    %c0_i32 = arith.constant 0 : i32
    %c0_i32_0 = arith.constant 0 : i32
    return %arg0, %c0_i32 : i32, i32
  }
}

</mosaic_0001>

<sc_bundles>
// kernel: kernel.10.cloned.1.call-start
scs
__scs_entry_jumppad:
0x0: {  	(pc) =	sbr.rel $0x88, $3  }
0x1: {  	(tag) =	ssettag $0x0;
	lr =	simm.s32 $0x1  }
0x2: {  	[smem:$0x3F9D] =	sst lr;
	_ =	strace $0xD0000000  }
0x3: {  	_ = 	snop  }
0x4: {  	_ = 	snop  }
0x5: {  	_ = 	snop  }
0x6: {  	_ = 	snop  }
0x7: {  	_ = 	snop  }
__scs_overlays_trampoline_lowered:
0x8: {  	[smem:$0x3FAC] =	sst s0  }
0x9: {  	[smem:$0x3FAD] =	sst s1  }
0xa: {  	[smem:$0x3FAE] =	sst s2  }
0xb: {  	[smem:$0x3FAF] =	sst s3  }
0xc: {  	[smem:$0x3FB0] =	sst s4  }
0xd: {  	[smem:$0x3FB1] =	sst s5  }
0xe: {  	[smem:$0x3FB2] =	sst s6  }
0xf: {  	[smem:$0x3FB3] =	sst s7  }
0x10: {  	[smem:$0x3FB4] =	sst s8  }
0x11: {  	[smem:$0x3FB5] =	sst s9;
	s0 =	simm.s32 @!p0 $0x0  }
0x12: {  	s1 =	sld [smem:$0x3F9B];
	s0 =	simm.s32 @p0 $0x1  }
0x13: {  	[smem:$0x3FB6] =	sst s0;
	s0 =	simm.s32 @!p1 $0x0  }
0x14: {  	s2 =	sld [smem:$0x3F9A];
	s0 =	simm.s32 @p1 $0x1  }
0x15: {  	[smem:$0x3FB7] =	sst s0;
	s0 =	simm.s32 @!p2 $0x0  }
0x16: {  	s3 =	sld [smem:$0x3FDB];
	s0 =	simm.s32 @p2 $0x1  }
0x17: {  	s4 =	simm.s32 $0x1BF5;
	[smem:$0x3FB9] =	sst s0  }
0x18: {  	s0 =	sld [smem:$0x3F9C];
	_ =	swait.ge [sflag:s4], $0x0  }
0x19: {  	s7 =	sld [smem:$0x3F9D]  }
0x1a: {  	s8 =	sadd.s32 $0xFFFFE003, lr  }
0x1b: {  	s9 =	sadd.s32 $0xFFFFFEF7, lr;
	s5 =	simm.s32 $0xFFFFFFFF;
	p2 =	slt.u32 s8, $0xFFFFF086  }
0x1c: {  	p1 =	slt.u32 s9, $0xF7A;
	s5 =	simm.s32 @!p2 $0x0  }
0x1d: {  	s5 =	simm.s32 @p1 $0x1;
	p0 =	seq.s32 s7, s2  }
0x1e: {  	s7 =	smul.u32 @!p0 $0xF7A, s2;
	p2 =	seq.s32 @!p0 s5, $0x0  }
0x1f: {  	s9 =	smul.u32 $0xF7A, s1;
	s8 =	simm.s32 @!p0 $0x1BF5;
	p2 =	por !p2, p0  }
0x20: {  	[sflag:s8] =	ssyncset.s32 @!p0 $0xFFFFF086;
	s6 =	sadd.s32 @!p0 s3, s7;
	s7 =	simm.s32 @!p0 $0x108  }
0x21: {  	s3 =	sadd.s32 s3, s9;
	s6 =	sadd.s32 @!p0 $0x88, s6;
	s7 =	simm.s32 @p2 $0x1082  }
0x22: {  	[simem:s7], [sflag:s8] =	dma.local @!p0 [hbm:s6], $0xF7A  }
0x23: {  	s9 =	sor.u32 $0xD0000000, s2;
	s6 =	simm.s32 $0x108;
	_ =	swait.ge @!p0 [sflag:s8], $0x0  }
0x24: {  	s3 =	sadd.s32 $0x88, s3;
	s6 =	simm.s32 @!p1 $0x1082;
	[sflag:s4] =	ssyncset.s32 $0xFFFFF086  }
0x25: {  	[simem:s6], [sflag:s4] =	dma.local [hbm:s3], $0xF7A  }
0x26: {  	[smem:$0x3F9D] =	sst s1;
	(tag) =	ssettag s2;
	_ =	strace s9  }
0x27: {  	s1 =	sld [smem:$0x3FAD]  }
0x28: {  	s2 =	sld [smem:$0x3FAE]  }
0x29: {  	s4 =	sld [smem:$0x3FB0]  }
0x2a: {  	p0 =	seq.s32 s5, $0x0;
	s5 =	sld [smem:$0x3FB1]  }
0x2b: {  	s6 =	sld [smem:$0x3FB2]  }
0x2c: {  	s7 =	sld [smem:$0x3FB3]  }
0x2d: {  	s3 =	simm.s32 $0x108;
	s8 =	sld [smem:$0x3FB4]  }
0x2e: {  	s3 =	simm.s32 @!p0 $0x1082;
	s9 =	sld [smem:$0x3FB5]  }
0x2f: {  	lr =	sadd.s32 s0, s3;
	s0 =	sld [smem:$0x3FAC]  }
0x30: {  	s3 =	sld [smem:$0x3FAF]  }
0x31: {  	[smem:$0x3FB8] =	sst s10  }
0x32: {  	s10 =	sld [smem:$0x3FB6];
	_ =	sdelay $0x3  }
0x33: {  	p0 =	seq.s32 s10, $0x1;
	s10 =	sld [smem:$0x3FB8];
	_ =	sdelay $0x3  }
0x34: {  	[smem:$0x3FB8] =	sst s10  }
0x35: {  	s10 =	sld [smem:$0x3FB7];
	_ =	sdelay $0x3  }
0x36: {  	p1 =	seq.s32 s10, $0x1;
	s10 =	sld [smem:$0x3FB8];
	_ =	sdelay $0x3  }
0x37: {  	[smem:$0x3FB8] =	sst s10  }
0x38: {  	s10 =	sld [smem:$0x3FB9]  }
0x39: {  	_ = 	snop;
	(pc) =	sbr.ind lr, $3  }
0x3a: {  	_ = 	snop  }
0x3b: {  	_ = 	snop  }
0x3c: {  	p2 =	seq.s32 s10, $0x1;
	s10 =	sld [smem:$0x3FB8]  }
0x3d: {  	_ =	shalt  }
0x3e: {  	_ =	shalt  }
0x3f: {  	_ =	shalt  }
0x40: {  	_ =	shalt  }
0x41: {  	_ =	shalt  }
0x42: {  	_ =	shalt  }
0x43: {  	_ =	shalt  }
0x44: {  	_ =	shalt  }
0x45: {  	_ =	shalt  }
0x46: {  	_ =	shalt  }
0x47: {  	_ =	shalt  }
0x48: {  	_ =	shalt  }
0x49: {  	_ =	shalt  }
0x4a: {  	_ =	shalt  }
0x4b: {  	_ =	shalt  }
0x4c: {  	_ =	shalt  }
0x4d: {  	_ =	shalt  }
0x4e: {  	_ =	shalt  }
0x4f: {  	_ =	shalt  }
0x50: {  	_ =	shalt  }
0x51: {  	_ =	shalt  }
0x52: {  	_ =	shalt  }
0x53: {  	_ =	shalt  }
0x54: {  	_ =	shalt  }
0x55: {  	_ =	shalt  }
0x56: {  	_ =	shalt  }
0x57: {  	_ =	shalt  }
0x58: {  	_ =	shalt  }
0x59: {  	_ =	shalt  }
0x5a: {  	_ =	shalt  }
0x5b: {  	_ =	shalt  }
0x5c: {  	_ =	shalt  }
0x5d: {  	_ =	shalt  }
0x5e: {  	_ =	shalt  }
0x5f: {  	_ =	shalt  }
0x60: {  	_ =	shalt  }
0x61: {  	_ =	shalt  }
0x62: {  	_ =	shalt  }
0x63: {  	_ =	shalt  }
0x64: {  	_ =	shalt  }
0x65: {  	_ =	shalt  }
0x66: {  	_ =	shalt  }
0x67: {  	_ =	shalt  }
0x68: {  	_ =	shalt  }
0x69: {  	_ =	shalt  }
0x6a: {  	_ =	shalt  }
0x6b: {  	_ =	shalt  }
0x6c: {  	_ =	shalt  }
0x6d: {  	_ =	shalt  }
0x6e: {  	_ =	shalt  }
0x6f: {  	_ =	shalt  }
0x70: {  	_ =	shalt  }
0x71: {  	_ =	shalt  }
0x72: {  	_ =	shalt  }
0x73: {  	_ =	shalt  }
0x74: {  	_ =	shalt  }
0x75: {  	_ =	shalt  }
0x76: {  	_ =	shalt  }
0x77: {  	_ =	shalt  }
0x78: {  	_ =	shalt  }
0x79: {  	_ =	shalt  }
0x7a: {  	_ =	shalt  }
0x7b: {  	_ =	shalt  }
0x7c: {  	_ =	shalt  }
0x7d: {  	_ =	shalt  }
0x7e: {  	_ =	shalt  }
0x7f: {  	_ =	shalt  }
0x80: {  	_ =	shalt  }
0x81: {  	_ =	shalt  }
0x82: {  	_ =	shalt  }
0x83: {  	_ =	shalt  }
0x84: {  	_ =	shalt  }
0x85: {  	_ =	shalt  }
0x86: {  	_ =	shalt  }
0x87: {  	_ =	shalt  }
.Lfunc_end0:
.L_simem_size_0:
called_computation.1_lowered:
.L_overlay_start_0:
0x88: {  	s2 =	sld [smem:$0x3FD9]  }
0x89: {  	s3 =	sld [smem:$0x3FFE];
	_ =	sdelay $0x1  }
0x8a: {  	s1 =	srdreg.scid  }
0x8b: {  	s0 =	sand.u32 $0x1, s1  }
0x8c: {  	s16 =	sshll.u32 s0, $0xA;
	s2 =	sadd.s32 s3, s2  }
0x8d: {  	s2 =	sadd.s32 s2, s16  }
0x8e: {  	[smem:$0x3FC4] =	sst s2  }
0x8f: {  	_ = 	snop  }
0x90: {  	(tm) =	ssettm $0x1  }
0x91: {  	s17 =	sld [smem:$0x3FFB];
	_ =	sdelay $0x3  }
0x92: {  	_ =	strace s17  }
0x93: {  	s2 =	sld [smem:$0x3FFC];
	_ =	sdelay $0x3  }
0x94: {  	_ =	strace s2  }
0x95: {  	s2 =	sld [smem:$0x3FFD];
	_ =	sdelay $0x3  }
0x96: {  	_ =	strace s2  }
0x97: {  	_ =	strace $0x8FFFFFFF  }
0x98: {  	s18 =	sld [smem:$0x3FDB];
	_ =	sdelay $0x1  }
0x99: {  	s19 =	simm.s32 $_scs_section_size  }
0x9a: {  	s4 =	simm.s32 $_size__tile_overlayer_lowered;
	s5 =	simm.s32 $_tile_overlayer_lowered  }
0x9b: {  	s22 =	simm.s32 $0x1BFF;
	s21 =	sshll.u32 s5, $0x1;
	s2 =	sadd.s32 s19, s18  }
0x9c: {  	s6 =	simm.s32 $0x0;
	s20 =	sshll.u32 s4, $0x1;
	s4 =	sadd.s32 s21, s2  }
0x9d: {  	[timem:s6], [sflag:s22] =	dma.local [hbm:s4], s20  }
0x9e: {  	_ =	swait.ge [sflag:s22], s20  }
0x9f: {  	s3 =	ssub.s32 $0x0, s20;
	[sflag:s22] =	ssyncset.done $0x0  }
0xa0: {  	[sflag:s22] =	ssyncadd.s32 s3;
	_ =	sdelay $0x1  }
0xa1: {  	s23 =	simm.s32 $0x1B8B  }
0xa2: {  	_ =	swait.ge [sflag:s23], $0x1  }
0xa3: {  	[sflag:s23] =	ssyncset.done $0x0  }
0xa4: {  	s25 =	simm.s32 $0x1B8E;
	s24 =	sld [smem:$0x3FFE];
	[sflag:s23] =	ssyncadd.s32 $0xFFFFFFFF  }
0xa5: {  	s26 =	simm.s32 $execute0_lowered;
	[smem:$0x3FD2] =	sst s25  }
0xa6: {  	s4 =	sshll.u32 s26, $0x1;
	_ =	strace $0x80000049;
	[dreg:$0x1] =	wrdreg $0xFFFFFFFF  }
0xa7: {  	s28 =	simm.s32 $_size_execute0_lowered;
	s2 =	sadd.s32 s2, s4;
	[dreg:$0x0] =	wrdreg $0x0  }
0xa8: {  	s4 =	sshll.u32 s28, $0x1;
	[dreg:$0x2] =	wrdreg s2  }
0xa9: {  	[dreg:$0x3] =	wrdreg s4  }
0xaa: {  	[dreg:$0x4] =	wrdreg $0xC0  }
0xab: {  	_ =	task [dreg:s6], $0x5FFFF  }
0xac: {  	[dreg:$0x1] =	wrdreg $0xFFFFFFFF  }
0xad: {  	[dreg:$0x0] =	wrdreg $0x60  }
0xae: {  	[dreg:$0x2] =	wrdreg s24  }
0xaf: {  	[dreg:$0x3] =	wrdreg $0x88000  }
0xb0: {  	[dreg:$0x4] =	wrdreg $0x9  }
0xb1: {  	_ =	task.clear_ibuf [dreg:s6], $0x5FFFF;
	_ =	strace $0x90000049  }
0xb2: {  	s29 =	simm.s32 $0x9;
	_ =	strace $0x8000004B  }
0xb3: {  	_ =	swait.ge [sflag:s29], $0x1  }
0xb4: {  	[sflag:s29] =	ssyncadd.s32 $0xFFFFFFFF  }
0xb5: {  	_ =	strace $0x9000004B  }
0xb6: {  	_ =	sfence  }
0xb7: {  	s30 =	sld [smem:$0x0];
	_ =	sdelay $0x2  }
0xb8: {  	s31 =	sshll.u32 s1, $0xD;
	s1 =	sshrl.u32 s1, $0x2  }
0xb9: {  	s3 =	sand.u32 $0x4000, s31;
	s1 =	sadd.s32 s1, s30  }
0xba: {  	s0 =	sor.u32 s3, s0;
	s1 =	sshll.u32 s1, $0x11  }
0xbb: {  	s0 =	sor.u32 s1, s0  }
0xbc: {  	s0 =	sadd.s32 $0x8F2B, s0  }
0xbd: {  	[sflag:s0] =	ssyncadd.remote.s32 $0x1  }
0xbe: {  	_ =	sfence.sel $0xFFFF  }
0xbf: {  	[dreg:$0x0] =	wrdreg $0xFFFFFFFF;
	(pc) =	sbr.abs _section_cstart, $3  }
0xc0: {  	[dreg:$0x1] =	wrdreg $0xFFFFFFFF  }
0xc1: {  	_ =	task.clear_ibuf [dreg:s6], $0x2FFFF;
	_ =	strace $0x9FFFFFFF  }
0xc2: {  	(tm) =	ssettm $0x7FFFFFFF  }
0xc3: {  	_ =	shalt  }
tec
execute0_lowered:
.L_overlay_start_1:
0x0: {  	(tag) =	ssettag $0x1  }
0x1: {  	s0 =	rddreg [dreg:$0x0]  }
0x2: {  	s2 =	rddreg [dreg:$0x1];
	s3 =	simm.s32 $0x0;
	s1 =	srdreg.scid  }
0x3: {  	s11 =	stileid.u32;
	s13 =	simm.s32 $0x800;
	s14 =	simm.s32 $0x2  }
0x4: {  	s15 =	simm.s32 $0x400;
	s16 =	simm.s32 $0x80;
	s17 =	simm.s32 $0x4800  }
0x5: {  	s18 =	simm.s32 $0x1;
	s19 =	simm.s32 $0x100;
	s20 =	simm.s32 $0x480  }
0x6: {  	s28 =	simm.s32 $0x600;
	s29 =	simm.s32 $0x300;
	s30 =	simm.s32 $0x680  }
0x7: {  	s31 =	simm.s32 $0x380;
	s1 =	sand.u32 $0x1, s1;
	s4 =	smul.u32 $0x98, s11  }
0x8: {  	s5 =	sshll.u32 s11, $0x3;
	[smem:$0x7FF] =	sst s3;
	s6 =	smul.u32 $0x50000, s11  }
0x9: {  	s11 =	smul.u32 $0x2800, s11;
	p0 =	seq.s32 s1, $0x0;
	s5 =	sor.u32 $0x980, s5  }
0xa: {  	_ =	strace $0x8000004A;
	s7 =	smul.u32 $0x28000, s1;
	s8 =	ssub.s32 $0x2, s1  }
0xb: {  	s5 =	smov.u32 @p0 s4;
	s4 =	sadd.s32 $0x1FC00, s0;
	s10 =	sshrl.u32 s8, $0x1  }
0xc: {  	s6 =	sshrl.u32 s6, $0x2;
	s5 =	sshll.u32 s5, $0x4;
	s21 =	ssub.s32 s8, s10  }
0xd: {  	s9 =	sadd.s32 s5, s0;
	s5 =	sadd.s32 s6, s2;
	s6 =	smax.u32 s21, $0x1  }
0xe: {  	p0 =	sne.s32 s1, $0x0;
	s22 =	sadd.s32 $0x4000, s5;
	[dreg:$0x7] =	wrdreg s6  }
0xf: {  	s1 =	simm.s32 $0x780;
	s23 =	sadd.s32 $0x8000, s5;
	[dreg:$0x3] =	wrdreg s22  }
0x10: {  	s0 =	sadd.s32 s7, s0;
	s24 =	sadd.s32 $0xC000, s5;
	[dreg:$0x4] =	wrdreg s23  }
0x11: {  	s21 =	simm.s32 $0x180;
	s25 =	sadd.s32 $0x10000, s5;
	[dreg:$0x5] =	wrdreg s24  }
0x12: {  	s0 =	sadd.s32 $0x47C00, s0;
	s26 =	sadd.s32 $0xBC00, s9;
	[dreg:$0x6] =	wrdreg s25  }
0x13: {  	s7 =	sadd.s32 $0x15C00, s9;
	s6 =	simm.s32 $0x0;
	[dreg:$0x8] =	wrdreg s26  }
0x14: {  	s22 =	simm.s32 $0x500;
	s23 =	simm.s32 $0x200;
	s24 =	sadd.s32 s11, s0  }
0x15: {  	v0 =	vimm.f32 $0.0e+00;
	s25 =	simm.s32 $0x580;
	s26 =	simm.s32 $0x280;
	s0 =	simm.s32 $0x700  }
.LBB2_1:
0x16: {  	s9 =	simm.s32 $0x0  }
0x17: {  	s11 =	sand.u32 $0xFFFFFF80, s9  }
0x18: {  	s11 =	ssub.s32 $0x0, s11  }
0x19: {  	s9 =	sand.u32 $0x3FFFFF80, s9;
	s11 =	sand.u32 $0xFFFFFF80, s11  }
0x1a: {  	s12 =	sand.u32 $0x70, s3;
	s11 =	sadd.s32 s11, s9  }
0x1b: {  	s9 =	simm.s32 $0x1;
	s12 =	sor.u32 s12, s11;
	s11 =	simm.s32 $0x0  }
.LBB2_2:
0x1c: {  	s10 =	sshll.u32 s9, $0x4;
	p1 =	sne.s32 s9, $0x3FF;
	s9 =	sadd.s32 $0x1, s9;
	[tilespmem:s12+$0x800] =	vst v0  }
.Ltmp0:
0x1d: {  	s11 =	sadd.s32 $0x10, s11;
	s12 =	sand.u32 $0xFFFFFF80, s10;
	(pc) =	sbr.rel @p1 .LBB2_2-.Ltmp0, $4  }
0x1e: {  	s12 =	ssub.s32 s11, s12  }
0x1f: {  	s10 =	sand.u32 $0x3FFFFF80, s10;
	s12 =	sand.u32 $0xFFFFFF80, s12  }
0x20: {  	s8 =	sand.u32 $0x70, s11;
	s10 =	sadd.s32 s12, s10  }
0x21: {  	s12 =	sor.u32 s8, s10  }
0x22: {  	[tilespmem:s12+$0x800] =	vst v0  }
0x23: {  	[spmem:s5] =	stream.linear.scatter [tilespmem:s13], [sflag:$0x2], $0x4000, $0x38;
	[tilespmem:$0x1C800] =	vst v63  }
0x24: {  	_ =	swait.ge [sflag:s14], $0x4000  }
0x25: {  	[sflag:s14] =	ssyncset.done $0x0  }
0x26: {  	s8 =	rddreg [dreg:$0x3];
	[sflag:s14] =	ssyncadd.s32 $0xFFFFC000  }
0x27: {  	[spmem:s8] =	stream.linear.scatter [tilespmem:s13], [sflag:$0x2], $0x4000, $0x38;
	[tilespmem:$0x1C800] =	vst v63  }
0x28: {  	_ =	swait.ge [sflag:s14], $0x4000  }
0x29: {  	[sflag:s14] =	ssyncset.done $0x0  }
0x2a: {  	s10 =	rddreg [dreg:$0x4];
	[sflag:s14] =	ssyncadd.s32 $0xFFFFC000  }
0x2b: {  	[spmem:s10] =	stream.linear.scatter [tilespmem:s13], [sflag:$0x2], $0x4000, $0x38;
	[tilespmem:$0x1C800] =	vst v63  }
0x2c: {  	_ =	swait.ge [sflag:s14], $0x4000  }
0x2d: {  	[sflag:s14] =	ssyncset.done $0x0  }
0x2e: {  	s11 =	rddreg [dreg:$0x5];
	[sflag:s14] =	ssyncadd.s32 $0xFFFFC000  }
0x2f: {  	[spmem:s11] =	stream.linear.scatter [tilespmem:s13], [sflag:$0x2], $0x4000, $0x38;
	[tilespmem:$0x1C800] =	vst v63  }
0x30: {  	_ =	swait.ge [sflag:s14], $0x4000  }
0x31: {  	[sflag:s14] =	ssyncset.done $0x0  }
0x32: {  	s12 =	rddreg [dreg:$0x6];
	[sflag:s14] =	ssyncadd.s32 $0xFFFFC000  }
0x33: {  	[spmem:s12] =	stream.linear.scatter [tilespmem:s13], [sflag:$0x2], $0x4000, $0x38;
	[tilespmem:$0x1C800] =	vst v63  }
0x34: {  	_ =	swait.ge [sflag:s14], $0x4000  }
0x35: {  	[sflag:s14] =	ssyncset.done $0x0  }
0x36: {  	[sflag:s14] =	ssyncadd.s32 $0xFFFFC000  }
0x37: {  	[bflag:$0x0] =	sbarrier.arrive $0xFFFF  }
0x38: {  	s9 =	simm.s32 $0x0;
	s12 =	smov.u32 s7;
	s11 =	rddreg [dreg:$0x8]  }
.LBB2_4:
0x39: {  	[tilespmem:s3], [sflag:$0x2] =	stream.linear.gather [hbm4b:s12+s3], $0x400, $0x38;
	[tilespmem:$0x1C800] =	vst v63  }
0x3a: {  	_ =	swait.ge [sflag:s14], $0x400  }
0x3b: {  	[sflag:s14] =	ssyncset.done $0x0  }
0x3c: {  	[sflag:s14] =	ssyncadd.s32 $0xFFFFFC00  }
0x3d: {  	[tilespmem:s15], [sflag:$0x2] =	stream.linear.gather [hbm4b:s11+s3], $0x400, $0x38;
	[tilespmem:$0x1C800] =	vst v63  }
0x3e: {  	_ =	swait.ge [sflag:s14], $0x400  }
0x3f: {  	[sflag:s14] =	ssyncset.done $0x0  }
0x40: {  	[sflag:s14] =	ssyncadd.s32 $0xFFFFFC00  }
0x41: {  	[tilespmem:s13], [sflag:$0x1] =	stream.indirect.gather [hbm4b:s4+s16], $0x80, s3, s16, $0xb8;
	[tilespmem:$0x1C800] =	vst v63  }
0x42: {  	_ = 	snop  }
0x43: {  	[tilespmem:s17], [sflag:$0x1] =	stream.indirect.gather [hbm4b:s4+s16], $0x80, s16, s16, $0xb8;
	[tilespmem:$0x1C800] =	vst v63  }
0x44: {  	_ =	swait.ge [sflag:s18], $0x4000  }
0x45: {  	[sflag:s18] =	ssyncset.done $0x0  }
0x46: {  	[sflag:s18] =	ssyncadd.s32 $0xFFFFC000  }
0x47: {  	[spmem:s2] =	stream.indirect.scatter.add.f32 [tilespmem:s13], [sflag:$0x2], $0x80, s15, s16, $0xb8;
	[tilespmem:$0x1C800] =	vst v63  }
0x48: {  	_ =	swait.ge [sflag:s14], $0x4000  }
0x49: {  	[sflag:s14] =	ssyncset.done $0x0  }
0x4a: {  	[sflag:s14] =	ssyncadd.s32 $0xFFFFC000  }
0x4b: {  	[tilespmem:s13], [sflag:$0x1] =	stream.indirect.gather [hbm4b:s4+s16], $0x80, s19, s16, $0xb8;
	[tilespmem:$0x1C800] =	vst v63  }
0x4c: {  	_ =	swait.ge [sflag:s18], $0x4000  }
0x4d: {  	[sflag:s18] =	ssyncset.done $0x0  }
0x4e: {  	[sflag:s18] =	ssyncadd.s32 $0xFFFFC000  }
0x4f: {  	[spmem:s2] =	stream.indirect.scatter.add.f32 [tilespmem:s17], [sflag:$0x2], $0x80, s20, s16, $0xb8;
	[tilespmem:$0x1C800] =	vst v63  }
0x50: {  	_ =	swait.ge [sflag:s14], $0x4000  }
0x51: {  	[sflag:s14] =	ssyncset.done $0x0  }
0x52: {  	[sflag:s14] =	ssyncadd.s32 $0xFFFFC000  }
0x53: {  	[tilespmem:s17], [sflag:$0x1] =	stream.indirect.gather [hbm4b:s4+s16], $0x80, s21, s16, $0xb8;
	[tilespmem:$0x1C800] =	vst v63  }
0x54: {  	_ =	swait.ge [sflag:s18], $0x4000  }
0x55: {  	[sflag:s18] =	ssyncset.done $0x0  }
0x56: {  	[sflag:s18] =	ssyncadd.s32 $0xFFFFC000  }
0x57: {  	[spmem:s2] =	stream.indirect.scatter.add.f32 [tilespmem:s13], [sflag:$0x2], $0x80, s22, s16, $0xb8;
	[tilespmem:$0x1C800] =	vst v63  }
0x58: {  	_ =	swait.ge [sflag:s14], $0x4000  }
0x59: {  	[sflag:s14] =	ssyncset.done $0x0  }
0x5a: {  	[sflag:s14] =	ssyncadd.s32 $0xFFFFC000  }
0x5b: {  	[tilespmem:s13], [sflag:$0x1] =	stream.indirect.gather [hbm4b:s4+s16], $0x80, s23, s16, $0xb8;
	[tilespmem:$0x1C800] =	vst v63  }
0x5c: {  	_ =	swait.ge [sflag:s18], $0x4000  }
0x5d: {  	[sflag:s18] =	ssyncset.done $0x0  }
0x5e: {  	[sflag:s18] =	ssyncadd.s32 $0xFFFFC000  }
0x5f: {  	[spmem:s2] =	stream.indirect.scatter.add.f32 [tilespmem:s17], [sflag:$0x2], $0x80, s25, s16, $0xb8;
	[tilespmem:$0x1C800] =	vst v63  }
0x60: {  	_ =	swait.ge [sflag:s14], $0x4000  }
0x61: {  	[sflag:s14] =	ssyncset.done $0x0  }
0x62: {  	[sflag:s14] =	ssyncadd.s32 $0xFFFFC000  }
0x63: {  	[tilespmem:s17], [sflag:$0x1] =	stream.indirect.gather [hbm4b:s4+s16], $0x80, s26, s16, $0xb8;
	[tilespmem:$0x1C800] =	vst v63  }
0x64: {  	_ =	swait.ge [sflag:s18], $0x4000  }
0x65: {  	[sflag:s18] =	ssyncset.done $0x0  }
0x66: {  	[sflag:s18] =	ssyncadd.s32 $0xFFFFC000  }
0x67: {  	[spmem:s2] =	stream.indirect.scatter.add.f32 [tilespmem:s13], [sflag:$0x2], $0x80, s28, s16, $0xb8;
	[tilespmem:$0x1C800] =	vst v63  }
0x68: {  	_ =	swait.ge [sflag:s14], $0x4000  }
0x69: {  	[sflag:s14] =	ssyncset.done $0x0  }
0x6a: {  	[sflag:s14] =	ssyncadd.s32 $0xFFFFC000  }
0x6b: {  	[tilespmem:s13], [sflag:$0x1] =	stream.indirect.gather [hbm4b:s4+s16], $0x80, s29, s16, $0xb8;
	[tilespmem:$0x1C800] =	vst v63  }
0x6c: {  	_ =	swait.ge [sflag:s18], $0x4000  }
0x6d: {  	[sflag:s18] =	ssyncset.done $0x0  }
0x6e: {  	[sflag:s18] =	ssyncadd.s32 $0xFFFFC000  }
0x6f: {  	[spmem:s2] =	stream.indirect.scatter.add.f32 [tilespmem:s17], [sflag:$0x2], $0x80, s30, s16, $0xb8;
	[tilespmem:$0x1C800] =	vst v63  }
0x70: {  	_ =	swait.ge [sflag:s14], $0x4000  }
0x71: {  	[sflag:s14] =	ssyncset.done $0x0  }
0x72: {  	[sflag:s14] =	ssyncadd.s32 $0xFFFFC000  }
0x73: {  	[tilespmem:s17], [sflag:$0x1] =	stream.indirect.gather [hbm4b:s4+s16], $0x80, s31, s16, $0xb8;
	[tilespmem:$0x1C800] =	vst v63  }
0x74: {  	_ =	swait.ge [sflag:s18], $0x4000  }
0x75: {  	[sflag:s18] =	ssyncset.done $0x0  }
0x76: {  	[sflag:s18] =	ssyncadd.s32 $0xFFFFC000  }
0x77: {  	[spmem:s2] =	stream.indirect.scatter.add.f32 [tilespmem:s13], [sflag:$0x2], $0x80, s0, s16, $0xb8;
	[tilespmem:$0x1C800] =	vst v63  }
0x78: {  	_ =	swait.ge [sflag:s14], $0x4000  }
0x79: {  	[sflag:s14] =	ssyncset.done $0x0  }
0x7a: {  	[sflag:s14] =	ssyncadd.s32 $0xFFFFC000  }
0x7b: {  	p1 =	slt.u32 @!p0 s9, $0x12;
	_ =	swait.ge [sflag:s18], $0x4000  }
0x7c: {  	p1 =	por p0, !p1;
	[sflag:s18] =	ssyncset.done $0x0  }
.Ltmp1:
0x7d: {  	[sflag:s18] =	ssyncadd.s32 $0xFFFFC000;
	(pc) =	sbr.rel @!p1 .LBB2_4-.Ltmp1, $4  }
0x7e: {  	[spmem:s2] =	stream.indirect.scatter.add.f32 [tilespmem:s17], [sflag:$0x2], $0x80, s1, s16, $0xb8;
	[tilespmem:$0x1C800] =	vst v63  }
0x7f: {  	_ =	swait.ge [sflag:s14], $0x4000  }
0x80: {  	s9 =	sadd.s32 $0x1, s9;
	[sflag:s14] =	ssyncset.done $0x0  }
0x81: {  	s12 =	sadd.s32 $0x80, s12;
	s11 =	sadd.s32 $0x80, s11;
	[sflag:s14] =	ssyncadd.s32 $0xFFFFC000  }
0x82: {  	s8 =	stileid.u32  }
0x83: {  	s8 =	sshll.u32 s8, $0x6  }
0x84: {  	[bflag:$0x0] =	sbarrier.arrive $0xFFFF;
	s9 =	sshrl.u32 s5, $0x3;
	s8 =	sor.u32 $0x1C02, s8  }
0x85: {  	[hbm:s24], [sflag:s8] =	dma.local [spmem:s9], $0x2800  }
0x86: {  	_ =	swait.ge [sflag:s14], $0x2800  }
0x87: {  	s6 =	sadd.s32 $0x1, s6;
	s12 =	rddreg [dreg:$0x7]  }
0x88: {  	p1 =	sne.s32 s6, s12  }
.Ltmp2:
0x89: {  	_ = 	snop;
	(pc) =	sbr.rel @p1 .LBB2_1-.Ltmp2, $3  }
0x8a: {  	_ =	sdelay $0x1  }
0x8b: {  	[sflag:s14] =	ssyncset.done $0x0  }
0x8c: {  	[sflag:s14] =	ssyncadd.s32 $0xFFFFD800  }
0x8d: {  	_ =	sfence.sel $0x180000  }
0x8e: {  	[bflag:$0x0] =	sbarrier.arrive $0xFFFF  }
0x8f: {  	_ =	strace $0x9000004A  }
0x90: {  	s0 =	stileid.u32;
	[bflag:$0x2] =	sbarrier.arrive $0xFFFF  }
0x91: {  	p0 =	sne.s32 s0, $0x0;
	s0 =	rddreg [dreg:$0x2]  }
0x92: {  	s0 =	sadd.s32 @!p0 $0x100000, s0  }
0x93: {  	[sflag:s0] =	ssyncadd.tile.s32 @!p0 $0x1;
	_ =	shalt  }
.Lfunc_end2:
_tile_overlayer_lowered:
.L_overlay_start_2:
0x94: {  	(tag) =	ssettag $0x2  }
0x95: {  	s0 =	rddreg [dreg:$0x0];
	s2 =	stileid.u32  }
0x96: {  	s1 =	rddreg [dreg:$0x1];
	p0 =	sne.s32 s2, $0x0  }
0x97: {  	s3 =	rddreg [dreg:$0x2];
	[bflag:$0x3] =	sbarrier.arrive $0xFFFF;
	s2 =	simm.s32 @!p0 $0x1C02  }
0x98: {  	[timem:s3], [sflag:s2] =	dma.local @!p0 [hbm:s0], s1  }
0x99: {  	s0 =	simm.s32 @!p0 $0x2  }
0x9a: {  	_ =	swait.ge @!p0 [sflag:s0], s1  }
0x9b: {  	s1 =	ssub.s32 @!p0 $0x0, s1;
	[sflag:s0] =	ssyncset.done @!p0 $0x0  }
0x9c: {  	[sflag:s0] =	ssyncadd.s32 @!p0 s1  }
0x9d: {  	[bflag:$0x3] =	sbarrier.arrive $0xFFFF  }
0x9e: {  	_ =	shalt  }

// kernel: kernel.7.cloned.1.call-start
scs
__scs_entry_jumppad:
0x0: {  	(pc) =	sbr.rel $0x88, $3  }
0x1: {  	(tag) =	ssettag $0x0;
	lr =	simm.s32 $0x1  }
0x2: {  	[smem:$0x3F9D] =	sst lr;
	_ =	strace $0xD0000000  }
0x3: {  	_ = 	snop  }
0x4: {  	_ = 	snop  }
0x5: {  	_ = 	snop  }
0x6: {  	_ = 	snop  }
0x7: {  	_ = 	snop  }
__scs_overlays_trampoline_lowered:
0x8: {  	[smem:$0x3FAC] =	sst s0  }
0x9: {  	[smem:$0x3FAD] =	sst s1  }
0xa: {  	[smem:$0x3FAE] =	sst s2  }
0xb: {  	[smem:$0x3FAF] =	sst s3  }
0xc: {  	[smem:$0x3FB0] =	sst s4  }
0xd: {  	[smem:$0x3FB1] =	sst s5  }
0xe: {  	[smem:$0x3FB2] =	sst s6  }
0xf: {  	[smem:$0x3FB3] =	sst s7  }
0x10: {  	[smem:$0x3FB4] =	sst s8  }
0x11: {  	[smem:$0x3FB5] =	sst s9;
	s0 =	simm.s32 @!p0 $0x0  }
0x12: {  	s1 =	sld [smem:$0x3F9B];
	s0 =	simm.s32 @p0 $0x1  }
0x13: {  	[smem:$0x3FB6] =	sst s0;
	s0 =	simm.s32 @!p1 $0x0  }
0x14: {  	s2 =	sld [smem:$0x3F9A];
	s0 =	simm.s32 @p1 $0x1  }
0x15: {  	[smem:$0x3FB7] =	sst s0;
	s0 =	simm.s32 @!p2 $0x0  }
0x16: {  	s3 =	sld [smem:$0x3FDB];
	s0 =	simm.s32 @p2 $0x1  }
0x17: {  	s4 =	simm.s32 $0x1BF5;
	[smem:$0x3FB9] =	sst s0  }
0x18: {  	s0 =	sld [smem:$0x3F9C];
	_ =	swait.ge [sflag:s4], $0x0  }
0x19: {  	s7 =	sld [smem:$0x3F9D]  }
0x1a: {  	s8 =	sadd.s32 $0xFFFFE003, lr  }
0x1b: {  	s9 =	sadd.s32 $0xFFFFFEF7, lr;
	s5 =	simm.s32 $0xFFFFFFFF;
	p2 =	slt.u32 s8, $0xFFFFF086  }
0x1c: {  	p1 =	slt.u32 s9, $0xF7A;
	s5 =	simm.s32 @!p2 $0x0  }
0x1d: {  	s5 =	simm.s32 @p1 $0x1;
	p0 =	seq.s32 s7, s2  }
0x1e: {  	s7 =	smul.u32 @!p0 $0xF7A, s2;
	p2 =	seq.s32 @!p0 s5, $0x0  }
0x1f: {  	s9 =	smul.u32 $0xF7A, s1;
	s8 =	simm.s32 @!p0 $0x1BF5;
	p2 =	por !p2, p0  }
0x20: {  	[sflag:s8] =	ssyncset.s32 @!p0 $0xFFFFF086;
	s6 =	sadd.s32 @!p0 s3, s7;
	s7 =	simm.s32 @!p0 $0x108  }
0x21: {  	s3 =	sadd.s32 s3, s9;
	s6 =	sadd.s32 @!p0 $0x88, s6;
	s7 =	simm.s32 @p2 $0x1082  }
0x22: {  	[simem:s7], [sflag:s8] =	dma.local @!p0 [hbm:s6], $0xF7A  }
0x23: {  	s9 =	sor.u32 $0xD0000000, s2;
	s6 =	simm.s32 $0x108;
	_ =	swait.ge @!p0 [sflag:s8], $0x0  }
0x24: {  	s3 =	sadd.s32 $0x88, s3;
	s6 =	simm.s32 @!p1 $0x1082;
	[sflag:s4] =	ssyncset.s32 $0xFFFFF086  }
0x25: {  	[simem:s6], [sflag:s4] =	dma.local [hbm:s3], $0xF7A  }
0x26: {  	[smem:$0x3F9D] =	sst s1;
	(tag) =	ssettag s2;
	_ =	strace s9  }
0x27: {  	s1 =	sld [smem:$0x3FAD]  }
0x28: {  	s2 =	sld [smem:$0x3FAE]  }
0x29: {  	s4 =	sld [smem:$0x3FB0]  }
0x2a: {  	p0 =	seq.s32 s5, $0x0;
	s5 =	sld [smem:$0x3FB1]  }
0x2b: {  	s6 =	sld [smem:$0x3FB2]  }
0x2c: {  	s7 =	sld [smem:$0x3FB3]  }
0x2d: {  	s3 =	simm.s32 $0x108;
	s8 =	sld [smem:$0x3FB4]  }
0x2e: {  	s3 =	simm.s32 @!p0 $0x1082;
	s9 =	sld [smem:$0x3FB5]  }
0x2f: {  	lr =	sadd.s32 s0, s3;
	s0 =	sld [smem:$0x3FAC]  }
0x30: {  	s3 =	sld [smem:$0x3FAF]  }
0x31: {  	[smem:$0x3FB8] =	sst s10  }
0x32: {  	s10 =	sld [smem:$0x3FB6];
	_ =	sdelay $0x3  }
0x33: {  	p0 =	seq.s32 s10, $0x1;
	s10 =	sld [smem:$0x3FB8];
	_ =	sdelay $0x3  }
0x34: {  	[smem:$0x3FB8] =	sst s10  }
0x35: {  	s10 =	sld [smem:$0x3FB7];
	_ =	sdelay $0x3  }
0x36: {  	p1 =	seq.s32 s10, $0x1;
	s10 =	sld [smem:$0x3FB8];
	_ =	sdelay $0x3  }
0x37: {  	[smem:$0x3FB8] =	sst s10  }
0x38: {  	s10 =	sld [smem:$0x3FB9]  }
0x39: {  	_ = 	snop;
	(pc) =	sbr.ind lr, $3  }
0x3a: {  	_ = 	snop  }
0x3b: {  	_ = 	snop  }
0x3c: {  	p2 =	seq.s32 s10, $0x1;
	s10 =	sld [smem:$0x3FB8]  }
0x3d: {  	_ =	shalt  }
0x3e: {  	_ =	shalt  }
0x3f: {  	_ =	shalt  }
0x40: {  	_ =	shalt  }
0x41: {  	_ =	shalt  }
0x42: {  	_ =	shalt  }
0x43: {  	_ =	shalt  }
0x44: {  	_ =	shalt  }
0x45: {  	_ =	shalt  }
0x46: {  	_ =	shalt  }
0x47: {  	_ =	shalt  }
0x48: {  	_ =	shalt  }
0x49: {  	_ =	shalt  }
0x4a: {  	_ =	shalt  }
0x4b: {  	_ =	shalt  }
0x4c: {  	_ =	shalt  }
0x4d: {  	_ =	shalt  }
0x4e: {  	_ =	shalt  }
0x4f: {  	_ =	shalt  }
0x50: {  	_ =	shalt  }
0x51: {  	_ =	shalt  }
0x52: {  	_ =	shalt  }
0x53: {  	_ =	shalt  }
0x54: {  	_ =	shalt  }
0x55: {  	_ =	shalt  }
0x56: {  	_ =	shalt  }
0x57: {  	_ =	shalt  }
0x58: {  	_ =	shalt  }
0x59: {  	_ =	shalt  }
0x5a: {  	_ =	shalt  }
0x5b: {  	_ =	shalt  }
0x5c: {  	_ =	shalt  }
0x5d: {  	_ =	shalt  }
0x5e: {  	_ =	shalt  }
0x5f: {  	_ =	shalt  }
0x60: {  	_ =	shalt  }
0x61: {  	_ =	shalt  }
0x62: {  	_ =	shalt  }
0x63: {  	_ =	shalt  }
0x64: {  	_ =	shalt  }
0x65: {  	_ =	shalt  }
0x66: {  	_ =	shalt  }
0x67: {  	_ =	shalt  }
0x68: {  	_ =	shalt  }
0x69: {  	_ =	shalt  }
0x6a: {  	_ =	shalt  }
0x6b: {  	_ =	shalt  }
0x6c: {  	_ =	shalt  }
0x6d: {  	_ =	shalt  }
0x6e: {  	_ =	shalt  }
0x6f: {  	_ =	shalt  }
0x70: {  	_ =	shalt  }
0x71: {  	_ =	shalt  }
0x72: {  	_ =	shalt  }
0x73: {  	_ =	shalt  }
0x74: {  	_ =	shalt  }
0x75: {  	_ =	shalt  }
0x76: {  	_ =	shalt  }
0x77: {  	_ =	shalt  }
0x78: {  	_ =	shalt  }
0x79: {  	_ =	shalt  }
0x7a: {  	_ =	shalt  }
0x7b: {  	_ =	shalt  }
0x7c: {  	_ =	shalt  }
0x7d: {  	_ =	shalt  }
0x7e: {  	_ =	shalt  }
0x7f: {  	_ =	shalt  }
0x80: {  	_ =	shalt  }
0x81: {  	_ =	shalt  }
0x82: {  	_ =	shalt  }
0x83: {  	_ =	shalt  }
0x84: {  	_ =	shalt  }
0x85: {  	_ =	shalt  }
0x86: {  	_ =	shalt  }
0x87: {  	_ =	shalt  }
.Lfunc_end0:
.L_simem_size_0:
called_computation_lowered:
.L_overlay_start_0:
0x88: {  	s2 =	sld [smem:$0x3FD9]  }
0x89: {  	s3 =	sld [smem:$0x3FFE];
	_ =	sdelay $0x1  }
0x8a: {  	s1 =	srdreg.scid  }
0x8b: {  	s0 =	sand.u32 $0x1, s1  }
0x8c: {  	s17 =	sshll.u32 s0, $0xA;
	s2 =	sadd.s32 s3, s2  }
0x8d: {  	s2 =	sadd.s32 s2, s17  }
0x8e: {  	[smem:$0x3FC4] =	sst s2  }
0x8f: {  	_ = 	snop  }
0x90: {  	s2 =	sld [smem:$0x3FD0];
	(tm) =	ssettm $0x1  }
0x91: {  	s18 =	sld [smem:$0x3FFB];
	_ =	sdelay $0x3  }
0x92: {  	_ =	strace s18  }
0x93: {  	s3 =	sld [smem:$0x3FFC];
	_ =	sdelay $0x3  }
0x94: {  	_ =	strace s3  }
0x95: {  	s3 =	sld [smem:$0x3FFD];
	_ =	sdelay $0x3  }
0x96: {  	_ =	strace s3  }
0x97: {  	_ =	strace $0x8FFFFFFF  }
0x98: {  	s19 =	sld [smem:$0x3FDB];
	_ =	sdelay $0x1  }
0x99: {  	s4 =	simm.s32 $_scs_section_size  }
0x9a: {  	s5 =	simm.s32 $_size__tile_overlayer_lowered;
	s6 =	simm.s32 $_tile_overlayer_lowered  }
0x9b: {  	s22 =	simm.s32 $0x1BFF;
	s21 =	sshll.u32 s6, $0x1;
	s3 =	sadd.s32 s4, s19  }
0x9c: {  	s7 =	simm.s32 $0x0;
	s20 =	sshll.u32 s5, $0x1;
	s5 =	sadd.s32 s21, s3  }
0x9d: {  	[timem:s7], [sflag:s22] =	dma.local [hbm:s5], s20  }
0x9e: {  	_ =	swait.ge [sflag:s22], s20  }
0x9f: {  	s4 =	ssub.s32 $0x0, s20;
	[sflag:s22] =	ssyncset.done $0x0  }
0xa0: {  	[sflag:s22] =	ssyncadd.s32 s4;
	_ =	sdelay $0x1  }
0xa1: {  	s23 =	simm.s32 $0x1B8B  }
0xa2: {  	_ =	swait.ge [sflag:s23], $0x1  }
0xa3: {  	[sflag:s23] =	ssyncset.done $0x0  }
0xa4: {  	s25 =	simm.s32 $0x1B8E;
	s24 =	sld [smem:$0x3FFE];
	[sflag:s23] =	ssyncadd.s32 $0xFFFFFFFF  }
0xa5: {  	s26 =	simm.s32 $execute0_lowered;
	[smem:$0x3FD2] =	sst s25  }
0xa6: {  	s5 =	sshll.u32 s26, $0x1;
	_ =	strace $0x80000046;
	[dreg:$0x1] =	wrdreg $0xFFFFFFFF  }
0xa7: {  	s28 =	simm.s32 $_size_execute0_lowered;
	s3 =	sadd.s32 s3, s5;
	[dreg:$0x0] =	wrdreg $0x0  }
0xa8: {  	s5 =	sshll.u32 s28, $0x1;
	[dreg:$0x2] =	wrdreg s3  }
0xa9: {  	[dreg:$0x3] =	wrdreg s5  }
0xaa: {  	[dreg:$0x4] =	wrdreg $0xC0  }
0xab: {  	_ =	task [dreg:s7], $0x5FFFF  }
0xac: {  	[dreg:$0x1] =	wrdreg $0xFFFFFFFF  }
0xad: {  	[dreg:$0x0] =	wrdreg $0x60  }
0xae: {  	[dreg:$0x2] =	wrdreg s2  }
0xaf: {  	[dreg:$0x3] =	wrdreg s24  }
0xb0: {  	[dreg:$0x4] =	wrdreg $0x9  }
0xb1: {  	_ =	task.clear_ibuf [dreg:s7], $0x5FFFF;
	_ =	strace $0x90000046  }
0xb2: {  	s29 =	simm.s32 $0x9;
	_ =	strace $0x80000048  }
0xb3: {  	_ =	swait.ge [sflag:s29], $0x1  }
0xb4: {  	[sflag:s29] =	ssyncadd.s32 $0xFFFFFFFF  }
0xb5: {  	_ =	strace $0x90000048  }
0xb6: {  	_ =	sfence  }
0xb7: {  	s30 =	sld [smem:$0x0];
	_ =	sdelay $0x2  }
0xb8: {  	s31 =	sshll.u32 s1, $0xD;
	s1 =	sshrl.u32 s1, $0x2  }
0xb9: {  	s3 =	sand.u32 $0x4000, s31;
	s1 =	sadd.s32 s1, s30  }
0xba: {  	s0 =	sor.u32 s3, s0;
	s1 =	sshll.u32 s1, $0x11  }
0xbb: {  	s0 =	sor.u32 s1, s0  }
0xbc: {  	s0 =	sadd.s32 $0x8F2B, s0  }
0xbd: {  	[sflag:s0] =	ssyncadd.remote.s32 $0x1  }
0xbe: {  	_ =	sfence.sel $0xFFFF  }
0xbf: {  	[dreg:$0x0] =	wrdreg $0xFFFFFFFF;
	(pc) =	sbr.abs _section_cstart, $3  }
0xc0: {  	[dreg:$0x1] =	wrdreg $0xFFFFFFFF  }
0xc1: {  	_ =	task.clear_ibuf [dreg:s7], $0x2FFFF;
	_ =	strace $0x9FFFFFFF  }
0xc2: {  	(tm) =	ssettm $0x7FFFFFFF  }
0xc3: {  	_ =	shalt  }
tec
execute0_lowered:
.L_overlay_start_1:
0x0: {  	(tag) =	ssettag $0x1  }
0x1: {  	s0 =	srdreg.scid;
	s4 =	rddreg [dreg:$0x0]  }
0x2: {  	s5 =	rddreg [dreg:$0x1];
	s3 =	sand.u32 $0x1, s0  }
0x3: {  	s2 =	simm.s32 $0x0;
	s0 =	stileid.u32;
	s1 =	sshll.u32 s3, $0x4  }
0x4: {  	s9 =	simm.s32 $0x80;
	s10 =	simm.s32 $0x400;
	s6 =	sor.u32 s0, s1  }
0x5: {  	s11 =	simm.s32 $0x0;
	[smem:$0x7FF] =	sst s2;
	s7 =	sshrl.u32 s6, $0x3  }
0x6: {  	s8 =	sshll.u32 s0, $0x7;
	s30 =	ssub.s32 $0x2, s3;
	s7 =	smul.u32 $0x14000, s7  }
0x7: {  	s3 =	sadd.s32 $0x1600, s5;
	s8 =	sand.u32 $0x380, s8;
	s6 =	smul.u32 $0x500, s6  }
0x8: {  	s1 =	rddreg [dreg:$0x2];
	_ =	strace $0x80000047;
	s7 =	sor.u32 s8, s7  }
0x9: {  	s31 =	sshrl.u32 s30, $0x1;
	s4 =	sadd.s32 s4, s6;
	s7 =	sshrl.u32 s7, $0x3  }
0xa: {  	s8 =	simm.s32 $0x1;
	s5 =	sadd.s32 s7, s5;
	s7 =	ssub.s32 s30, s31  }
0xb: {  	v0 =	vimm.f32 $1.000000000e+00;
	s5 =	sadd.s32 $0x1C00, s5;
	s6 =	smax.u32 s7, $0x1;
	s7 =	simm.s32 $0x2800  }
.LBB2_1:
0xc: {  	[tilespmem:s7], [sflag:$0x1] =	stream.linear.gather [hbm4b:s3+s2], $0x2800, $0x38;
	[tilespmem:$0x5000] =	vst v63  }
0xd: {  	_ =	swait.ge [sflag:s8], $0x2800  }
0xe: {  	[sflag:s8] =	ssyncset.done $0x0  }
0xf: {  	[sflag:s8] =	ssyncadd.s32 $0xFFFFD800  }
0x10: {  	[tilespmem:s2], [sflag:$0x1] =	stream.linear.gather [hbm4b:s4+s2], $0x2800, $0x38;
	[tilespmem:$0x5000] =	vst v63  }
0x11: {  	_ =	swait.ge [sflag:s8], $0x2800  }
0x12: {  	[sflag:s8] =	ssyncset.done $0x0  }
0x13: {  	s13 =	simm.s32 $0x0;
	s12 =	simm.s32 $0x40;
	[sflag:s8] =	ssyncadd.s32 $0xFFFFD800  }
.LBB2_2:
0x14: {  	p0 =	sne.s32 s12, $0x9FC0;
	v1 =	vld [tilespmem:s13+$0x0];
	_ =	sdelay $0x3  }
.Ltmp0:
0x15: {  	(pc) =	sbr.rel @p0 .LBB2_2-.Ltmp0, $2  }
0x16: {  	_ =	sdelay $0x2  }
0x17: {  	s13 =	sshra.s32 s12, $0x2;
	s12 =	sadd.s32 $0x40, s12;
	[tilespmem:v1+s7+$0x0] =	vst.idx.add.f32.msk $0xffff, v0  }
0x18: {  	v1 =	vld [tilespmem:s13+$0x0];
	_ =	sdelay $0x5  }
0x19: {  	s11 =	sadd.s32 $0x1, s11  }
0x1a: {  	p0 =	sne.s32 s11, s6  }
.Ltmp1:
0x1b: {  	[tilespmem:v1+s7+$0x0] =	vst.idx.add.f32.msk $0xffff, v0;
	(pc) =	sbr.rel @p0 .LBB2_1-.Ltmp1, $4  }
0x1c: {  	[hbm4b:s5+s9] =	stream.strided.scatter [tilespmem:s7], [sflag:$0x1], $0x2800, s10, s9, $0x38;
	[tilespmem:$0x5000] =	vst v63  }
0x1d: {  	_ =	swait.ge [sflag:s8], $0x2800  }
0x1e: {  	[sflag:s8] =	ssyncset.done $0x0  }
0x1f: {  	[sflag:s8] =	ssyncadd.s32 $0xFFFFD800  }
0x20: {  	_ =	sfence.sel $0x180000  }
0x21: {  	[bflag:$0x0] =	sbarrier.arrive $0xFFFF  }
0x22: {  	p0 =	sne.s32 s0, $0x0;
	_ =	strace $0x90000047  }
0x23: {  	s0 =	sadd.s32 @!p0 $0x100000, s1;
	[bflag:$0x2] =	sbarrier.arrive $0xFFFF  }
0x24: {  	[sflag:s0] =	ssyncadd.tile.s32 @!p0 $0x1;
	_ =	shalt  }
.Lfunc_end2:
_tile_overlayer_lowered:
.L_overlay_start_2:
0x25: {  	(tag) =	ssettag $0x2  }
0x26: {  	s0 =	rddreg [dreg:$0x0];
	s2 =	stileid.u32  }
0x27: {  	s1 =	rddreg [dreg:$0x1];
	p0 =	sne.s32 s2, $0x0  }
0x28: {  	s3 =	rddreg [dreg:$0x2];
	[bflag:$0x3] =	sbarrier.arrive $0xFFFF;
	s2 =	simm.s32 @!p0 $0x1C01  }
0x29: {  	[timem:s3], [sflag:s2] =	dma.local @!p0 [hbm:s0], s1  }
0x2a: {  	s0 =	simm.s32 @!p0 $0x1  }
0x2b: {  	_ =	swait.ge @!p0 [sflag:s0], s1  }
0x2c: {  	s1 =	ssub.s32 @!p0 $0x0, s1;
	[sflag:s0] =	ssyncset.done @!p0 $0x0  }
0x2d: {  	[sflag:s0] =	ssyncadd.s32 @!p0 s1  }
0x2e: {  	[bflag:$0x3] =	sbarrier.arrive $0xFFFF  }
0x2f: {  	_ =	shalt  }

</sc_bundles>
